<compile_context>
chip_gen: v7x
topology: tpu7x:2x2x1
jax: 0.10.2.dev20260603
libtpu: 0.0.44.dev20260713+nightly
codegen_flags: <defaults>
</compile_context>

<pallas_src>
import functools

import jax
import jax.numpy as jnp
from jax import lax
from jax.experimental import pallas as pl
from jax.experimental.pallas import tpu as pltpu
from jax.experimental.pallas import tpu_sc as plsc

E = 32768
LBD = 0.1
L = 16

LN2 = 0.6931471805599453
SQRT2 = 1.4142135623730951
CM = [2.8611005965088914e-08, 0.9999998571599664, -0.5000094528500123,
      0.3333570973747606, -0.2495212848772336, 0.19882802594237414,
      -0.17405911832439713, 0.16365879955638582, -0.09842353538796306]
CP = [5.239402951757033e-09, 0.9999989105817847, -0.4999622445170655,
      0.33281842539712797, -0.24635660615435243, 0.18468848457174256,
      -0.12526661430202796, 0.06651247927615206, -0.023038279921030243,
      0.0037526242132415377]

_GDN = lax.GatherDimensionNumbers(
    offset_dims=(), collapsed_slice_dims=(0,), start_index_map=(0,))


def _dgather(v, idx):
    return lax.gather(v, idx[:, None], _GDN, (1,),
                      mode=lax.GatherScatterMode.PROMISE_IN_BOUNDS)


def _lane_total(v, lane):
    for sh in (8, 4, 2, 1):
        v = v + _dgather(v, jnp.bitwise_xor(lane, sh))
    return v


def _horner(c, x):
    r = jnp.full_like(x, c[-1])
    for v in c[-2::-1]:
        r = r * x + jnp.float32(v)
    return r


def _flog(x):
    xi = lax.bitcast_convert_type(x, jnp.int32)
    ex = jnp.bitwise_and(lax.shift_right_logical(xi, 23), 0xFF) - 127
    mb = jnp.bitwise_or(jnp.bitwise_and(xi, 0x007FFFFF), 0x3F800000)
    m = lax.bitcast_convert_type(mb, jnp.float32)
    big = m > SQRT2
    m = jnp.where(big, m * 0.5, m)
    ex = jnp.where(big, ex + 1, ex).astype(jnp.float32)
    return _horner(CM, m - 1.0) + ex * LN2


def _make_sc_kernel():
    info = plsc.get_sparse_core_info()
    nc, ns = info.num_cores, info.num_subcores
    nw = nc * ns
    chunk = E // nw
    nvec = chunk // L
    mesh = plsc.VectorSubcoreMesh(core_axis_name="c", subcore_axis_name="s")

    @functools.partial(
        pl.kernel,
        mesh=mesh,
        out_type=jax.ShapeDtypeStruct((nw, L), jnp.float32),
        scratch_types=[
            pltpu.VMEM((chunk,), jnp.float32),
            pltpu.VMEM((chunk,), jnp.float32),
            pltpu.VMEM((chunk,), jnp.float32),
            pltpu.VMEM((chunk,), jnp.int32),
            pltpu.VMEM((L,), jnp.float32),
            pltpu.SemaphoreType.DMA,
            pltpu.SemaphoreType.DMA,
            pltpu.SemaphoreType.DMA,
            pltpu.SemaphoreType.DMA,
        ],
    )
    def sc_kernel(x0_hbm, l0_hbm, l1_hbm, t_hbm, out_hbm, x0_v, l0_v, l1_v,
                  t_v, part_v, sem0, sem1, sem2, sem3):
        wid = lax.axis_index("s") * nc + lax.axis_index("c")
        base = wid * chunk
        cp0 = pltpu.async_copy(x0_hbm.at[pl.ds(base, chunk)], x0_v, sem0)
        cp1 = pltpu.async_copy(l0_hbm.at[pl.ds(base, chunk)], l0_v, sem1)
        cp2 = pltpu.async_copy(l1_hbm.at[pl.ds(base, chunk)], l1_v, sem2)
        cp3 = pltpu.async_copy(t_hbm.at[pl.ds(base, chunk)], t_v, sem3)
        cp0.wait()
        cp1.wait()
        cp2.wait()
        cp3.wait()

        def step(i, carry):
            kl_a, ax_a, ac_a = carry
            x0 = x0_v[pl.ds(i * L, L)]
            l0 = l0_v[pl.ds(i * L, L)]
            l1 = l1_v[pl.ds(i * L, L)]
            tf = t_v[pl.ds(i * L, L)].astype(jnp.float32)

            kt = 1.0 - tf * (1.0 / 64.0)
            ktm1 = kt + (1.0 / 64.0)
            bt = kt / ktm1

            s1 = 1.0 / (1.0 + jnp.exp(l0 - l1))
            s0 = 1.0 - s1

            w = (x0 * kt) * bt
            q0 = 1.0 - w
            pr0 = (s0 * ktm1 + (1.0 - ktm1)) * q0
            pr1 = (s1 * ktm1) * w
            rs = 1.0 / (pr0 + pr1 + 1e-6)
            ftr = tf == 1.0
            tm10 = jnp.where(ftr, s0, pr0 * rs)
            tm11 = jnp.where(ftr, s1, pr1 * rs)
            u0 = ((1.0 - x0) * ktm1 + (1.0 - ktm1)) * q0
            u1 = (x0 * ktm1) * w
            us = 1.0 / (u0 + u1 + 1e-6)
            g0 = jnp.clip(u0 * us, 0.0, 1.0)
            g1 = jnp.clip(u1 * us, 0.0, 1.0)
            p0 = jnp.clip(tm10, 1e-6, 1.0 - 1e-6)
            p1 = jnp.clip(tm11, 1e-6, 1.0 - 1e-6)
            lp0 = _flog(p0)
            lp1 = _flog(p1)
            aux = -((g0 + 1.0 - g1) * lp0 + (1.0 - g0 + g1) * lp1)

            kl0 = (jnp.maximum(l0, 0.0) - l0 * (1.0 - x0)
                   + _horner(CP, jnp.exp(-jnp.abs(l0))))
            kl1 = (jnp.maximum(l1, 0.0) - l1 * x0
                   + _horner(CP, jnp.exp(-jnp.abs(l1))))

            af = jnp.where(l1 > l0, 1.0, 0.0)
            accv = jnp.where(af == x0, 1.0, 0.0)
            return kl_a + (kl0 + kl1), ax_a + aux, ac_a + accv

        zero = jnp.zeros((L,), jnp.float32)
        kl_s, ax_s, ac_s = plsc.parallel_loop(
            0, nvec, unroll=8, carry=(zero, zero, zero))(step)
        lane = lax.iota(jnp.int32, L)
        kl_t = _lane_total(kl_s, lane)
        ax_t = _lane_total(ax_s, lane)
        ac_t = _lane_total(ac_s, lane)
        comb = (jnp.where(lane == 0, kl_t, zero)
                + jnp.where(lane == 1, ax_t, zero)
                + jnp.where(lane == 2, ac_t, zero))
        part_v[...] = comb
        pltpu.sync_copy(part_v, out_hbm.at[wid])

    return sc_kernel


def kernel(full_edge_0, full_edge_0_hat_logits, t_edge):
    sc = _make_sc_kernel()
    l0 = full_edge_0_hat_logits[:, 0]
    l1 = full_edge_0_hat_logits[:, 1]
    parts = sc(full_edge_0, l0, l1, t_edge)
    sums = parts.sum(axis=0)
    kl_loss = sums[0] / (2.0 * E)
    aux_loss = sums[1] / (2.0 * E)
    acc = sums[2] / E
    total = LBD * aux_loss + kl_loss
    return (total, kl_loss, acc, aux_loss)

# --- scband reference (transcript-rebuilt; emitter-appended) ---
"""Pipeline reference for scband-bernoulli-one-hot-diffusion-63333587746874 (READ-ONLY COPY).

The authoritative reference and input builder live on the scoring server;
editing this copy changes nothing except your own understanding.
"""

import jax, jax.numpy as jnp
import numpy as np

NUM_T = 64
PI = 0.0
LBD = 0.1
E = 32768

_k = 1.0 - np.arange(NUM_T + 1, dtype=np.float32) / NUM_T
_k_prev = np.concatenate([np.ones(1, dtype=np.float32), _k[:-1]])
K_FINAL = jnp.asarray(_k)
BETA_T = jnp.asarray(_k / np.maximum(_k_prev, 1e-12))


def prob2onehot(p):
    return jnp.stack([1.0 - p, p], axis=-1)


def scheduler_apply(x, t):
    # q(x_t | x_0) under linear_cumprod Bernoulli schedule with marginal pi
    kt = K_FINAL[t]
    if x.ndim == t.ndim:
        return x * kt + (1.0 - kt) * PI
    m = jnp.array([1.0 - PI, PI], dtype=x.dtype)
    return x * kt[..., None] + (1.0 - kt)[..., None] * m


def scheduler_one_step(x, t):
    bt = BETA_T[t]
    m = jnp.array([1.0 - PI, PI], dtype=x.dtype)
    return x * bt[..., None] + (1.0 - bt)[..., None] * m


def bce_with_logits(logits, targets):
    return jnp.maximum(logits, 0.0) - logits * targets + jnp.log1p(jnp.exp(-jnp.abs(logits)))


def setup_inputs(seed: int = 0):
    key = jax.random.key(seed)
    k1, k2, k3 = jax.random.split(key, 3)
    full_edge_0 = jax.random.randint(k1, (E,), 0, 2).astype(jnp.float32)
    t_edge = jax.random.randint(k2, (E,), 1, NUM_T + 1).astype(jnp.int32)
    full_edge_0_hat_logits = jax.random.normal(k3, (E, 2), dtype=jnp.float32)
    return {
        "full_edge_0": full_edge_0,
        "full_edge_0_hat_logits": full_edge_0_hat_logits,
        "t_edge": t_edge,
    }


def reference(full_edge_0, full_edge_0_hat_logits, t_edge):
    # _train_loss core (loss_type='mean' -> weight=1.0, parametrization='x0'),
    # with the inner GNN output supplied as full_edge_0_hat_logits.
    target = prob2onehot(full_edge_0)
    kl = bce_with_logits(full_edge_0_hat_logits, target)
    kl_loss = jnp.mean(kl)
    loss = kl_loss
    # auxiliary VLB term (lbd > 0)
    full_edge_t_prob = scheduler_apply(full_edge_0, t_edge)
    ftr = (t_edge - 1 == 0).astype(jnp.float32)[..., None]
    full_edge_0_logits = jax.nn.softmax(full_edge_0_hat_logits, axis=-1)
    full_edge_t_logits = prob2onehot(full_edge_t_prob)
    p_EV_qxtmin_x0 = scheduler_apply(full_edge_0_logits, t_edge - 1)
    q_one_step = scheduler_one_step(full_edge_t_logits, t_edge)
    probs = p_EV_qxtmin_x0 * q_one_step
    probs = probs / (probs.sum(-1, keepdims=True) + 1e-06)
    full_edge_tm1_logits = probs * (1.0 - ftr) + full_edge_0_logits * ftr
    p_EV_qxtmin_x0_gt = scheduler_apply(prob2onehot(full_edge_0), t_edge - 1)
    unnormed_gt = p_EV_qxtmin_x0_gt * q_one_step
    full_edge_tm1_gt = unnormed_gt / (unnormed_gt.sum(-1, keepdims=True) + 1e-06)
    p = jnp.clip(full_edge_tm1_logits, 1e-06, 1.0 - 1e-06)
    g = jnp.clip(full_edge_tm1_gt, 0.0, 1.0)
    aux = -(g * jnp.log(p) + (1.0 - g) * jnp.log(1.0 - p))
    aux_loss = jnp.mean(aux)
    total = LBD * aux_loss + loss
    acc = jnp.sum(((full_edge_0_hat_logits[..., 1] > full_edge_0_hat_logits[..., 0]).astype(jnp.float32) == full_edge_0).astype(jnp.float32)) / float(full_edge_0.size)
    return (total, kl_loss, acc, aux_loss)

if __name__ == "__main__":
    import jax
    _d = setup_inputs()
    print(jax.jit(kernel)(*tuple(_d.values())))

</pallas_src>

<mosaic_0001>
#map = affine_map<(d0, d1) -> (0)>
#map1 = affine_map<(d0, d1) -> (0, 0)>
module attributes {stable_mosaic.version = 14 : i64} {
  func.func @sc_kernel(%arg0: i32, %arg1: i32, %arg2: memref<32768xf32, #tpu.memory_space<hbm>>, %arg3: memref<32768xf32, #tpu.memory_space<hbm>>, %arg4: memref<32768xf32, #tpu.memory_space<hbm>>, %arg5: memref<32768xi32, #tpu.memory_space<hbm>>, %arg6: memref<32x16xf32, #tpu.memory_space<hbm>>, %arg7: memref<1024xf32, #tpu.memory_space<vmem>>, %arg8: memref<1024xf32, #tpu.memory_space<vmem>>, %arg9: memref<1024xf32, #tpu.memory_space<vmem>>, %arg10: memref<1024xi32, #tpu.memory_space<vmem>>, %arg11: memref<16xf32, #tpu.memory_space<vmem>>, %arg12: memref<!tpu.dma_semaphore, #tpu.memory_space<semaphore_mem>>, %arg13: memref<!tpu.dma_semaphore, #tpu.memory_space<semaphore_mem>>, %arg14: memref<!tpu.dma_semaphore, #tpu.memory_space<semaphore_mem>>, %arg15: memref<!tpu.dma_semaphore, #tpu.memory_space<semaphore_mem>>) attributes {dimension_semantics = [#tpu.dimension_semantics<core_parallel>, #tpu.dimension_semantics<subcore_parallel>], iteration_bounds = array<i64: 2, 16>, scalar_prefetch = 0 : i64, scratch_operands = 9 : i64, tpu.core_type = #tpu.core_type<sc_vector_subcore>, window_params = [{transform_indices = #map}, {transform_indices = #map}, {transform_indices = #map}, {transform_indices = #map}, {transform_indices = #map1}]} {
    %mul3A = arith.constant 2 : i32
    %mul3A_0 = arith.muli %arg1, %mul3A : i32
    %add3A = arith.addi %mul3A_0, %arg0 : i32
    %mul3A_1 = arith.constant 1024 : i32
    %mul3A_2 = arith.muli %add3A, %mul3A_1 : i32
    %dma_start3A = tpu.memref_slice %arg2[%mul3A_2] : memref<32768xf32, #tpu.memory_space<hbm>> -> memref<1024xf32, #tpu.memory_space<hbm>>
    %dma_start3A_3 = tpu.memref_slice %arg2[%mul3A_2] : memref<32768xf32, #tpu.memory_space<hbm>> -> memref<1024xf32, #tpu.memory_space<hbm>>
    tpu.enqueue_dma source(%dma_start3A_3 : memref<1024xf32, #tpu.memory_space<hbm>>) target(%arg7 : memref<1024xf32, #tpu.memory_space<vmem>>) target_semaphore(%arg12 : memref<!tpu.dma_semaphore, #tpu.memory_space<semaphore_mem>>)
    %dma_start3A_4 = tpu.memref_slice %arg3[%mul3A_2] : memref<32768xf32, #tpu.memory_space<hbm>> -> memref<1024xf32, #tpu.memory_space<hbm>>
    %dma_start3A_5 = tpu.memref_slice %arg3[%mul3A_2] : memref<32768xf32, #tpu.memory_space<hbm>> -> memref<1024xf32, #tpu.memory_space<hbm>>
    tpu.enqueue_dma source(%dma_start3A_5 : memref<1024xf32, #tpu.memory_space<hbm>>) target(%arg8 : memref<1024xf32, #tpu.memory_space<vmem>>) target_semaphore(%arg13 : memref<!tpu.dma_semaphore, #tpu.memory_space<semaphore_mem>>)
    %dma_start3A_6 = tpu.memref_slice %arg4[%mul3A_2] : memref<32768xf32, #tpu.memory_space<hbm>> -> memref<1024xf32, #tpu.memory_space<hbm>>
    %dma_start3A_7 = tpu.memref_slice %arg4[%mul3A_2] : memref<32768xf32, #tpu.memory_space<hbm>> -> memref<1024xf32, #tpu.memory_space<hbm>>
    tpu.enqueue_dma source(%dma_start3A_7 : memref<1024xf32, #tpu.memory_space<hbm>>) target(%arg9 : memref<1024xf32, #tpu.memory_space<vmem>>) target_semaphore(%arg14 : memref<!tpu.dma_semaphore, #tpu.memory_space<semaphore_mem>>)
    %dma_start3A_8 = tpu.memref_slice %arg5[%mul3A_2] : memref<32768xi32, #tpu.memory_space<hbm>> -> memref<1024xi32, #tpu.memory_space<hbm>>
    %dma_start3A_9 = tpu.memref_slice %arg5[%mul3A_2] : memref<32768xi32, #tpu.memory_space<hbm>> -> memref<1024xi32, #tpu.memory_space<hbm>>
    tpu.enqueue_dma source(%dma_start3A_9 : memref<1024xi32, #tpu.memory_space<hbm>>) target(%arg10 : memref<1024xi32, #tpu.memory_space<vmem>>) target_semaphore(%arg15 : memref<!tpu.dma_semaphore, #tpu.memory_space<semaphore_mem>>)
    %dma_wait3A = tpu.memref_slice %arg2[%mul3A_2] : memref<32768xf32, #tpu.memory_space<hbm>> -> memref<1024xf32, #tpu.memory_space<hbm>>
    %dma_wait3A_10 = tpu.memref_slice %arg2[%mul3A_2] : memref<32768xf32, #tpu.memory_space<hbm>> -> memref<1024xf32, #tpu.memory_space<hbm>>
    tpu.wait_dma2 semaphore(%arg12 : memref<!tpu.dma_semaphore, #tpu.memory_space<semaphore_mem>>) src(%dma_wait3A_10 : memref<1024xf32, #tpu.memory_space<hbm>>) dst(%arg7 : memref<1024xf32, #tpu.memory_space<vmem>>)
    %dma_wait3A_11 = tpu.memref_slice %arg3[%mul3A_2] : memref<32768xf32, #tpu.memory_space<hbm>> -> memref<1024xf32, #tpu.memory_space<hbm>>
    %dma_wait3A_12 = tpu.memref_slice %arg3[%mul3A_2] : memref<32768xf32, #tpu.memory_space<hbm>> -> memref<1024xf32, #tpu.memory_space<hbm>>
    tpu.wait_dma2 semaphore(%arg13 : memref<!tpu.dma_semaphore, #tpu.memory_space<semaphore_mem>>) src(%dma_wait3A_12 : memref<1024xf32, #tpu.memory_space<hbm>>) dst(%arg8 : memref<1024xf32, #tpu.memory_space<vmem>>)
    %dma_wait3A_13 = tpu.memref_slice %arg4[%mul3A_2] : memref<32768xf32, #tpu.memory_space<hbm>> -> memref<1024xf32, #tpu.memory_space<hbm>>
    %dma_wait3A_14 = tpu.memref_slice %arg4[%mul3A_2] : memref<32768xf32, #tpu.memory_space<hbm>> -> memref<1024xf32, #tpu.memory_space<hbm>>
    tpu.wait_dma2 semaphore(%arg14 : memref<!tpu.dma_semaphore, #tpu.memory_space<semaphore_mem>>) src(%dma_wait3A_14 : memref<1024xf32, #tpu.memory_space<hbm>>) dst(%arg9 : memref<1024xf32, #tpu.memory_space<vmem>>)
    %dma_wait3A_15 = tpu.memref_slice %arg5[%mul3A_2] : memref<32768xi32, #tpu.memory_space<hbm>> -> memref<1024xi32, #tpu.memory_space<hbm>>
    %dma_wait3A_16 = tpu.memref_slice %arg5[%mul3A_2] : memref<32768xi32, #tpu.memory_space<hbm>> -> memref<1024xi32, #tpu.memory_space<hbm>>
    tpu.wait_dma2 semaphore(%arg15 : memref<!tpu.dma_semaphore, #tpu.memory_space<semaphore_mem>>) src(%dma_wait3A_16 : memref<1024xi32, #tpu.memory_space<hbm>>) dst(%arg10 : memref<1024xi32, #tpu.memory_space<vmem>>)
    %broadcast_in_dim3A = arith.constant 0.000000e+00 : f32
    %broadcast_in_dim3A_17 = vector.broadcast %broadcast_in_dim3A : f32 to vector<16xf32>
    %parallel_loop3A = arith.constant 0 : i32
    %parallel_loop3A_18 = arith.constant 64 : i32
    %parallel_loop3A_19 = arith.constant 1 : i32
    %parallel_loop3A_20:3 = scf.for %parallel_loop3A_118 = %parallel_loop3A to %parallel_loop3A_18 step %parallel_loop3A_19 iter_args(%parallel_loop3A_119 = %broadcast_in_dim3A_17, %parallel_loop3A_120 = %broadcast_in_dim3A_17, %parallel_loop3A_121 = %broadcast_in_dim3A_17) -> (vector<16xf32>, vector<16xf32>, vector<16xf32>)  : i32 {
      %parallel_loop3A_122 = arith.constant 16 : i32
      %parallel_loop3A_123 = arith.muli %parallel_loop3A_118, %parallel_loop3A_122 : i32
      %parallel_loop3A_124 = arith.index_cast %parallel_loop3A_123 : i32 to index
      %parallel_loop3A_125 = tpu.vector_load %arg7[%parallel_loop3A_124] {strides = array<i32>} : memref<1024xf32, #tpu.memory_space<vmem>>, vector<16xf32>,
      %parallel_loop3A_126 = vector.shape_cast %parallel_loop3A_125 : vector<16xf32> to vector<16xf32>
      %parallel_loop3A_127 = arith.constant 16 : i32
      %parallel_loop3A_128 = arith.muli %parallel_loop3A_118, %parallel_loop3A_127 : i32
      %parallel_loop3A_129 = arith.index_cast %parallel_loop3A_128 : i32 to index
      %parallel_loop3A_130 = tpu.vector_load %arg8[%parallel_loop3A_129] {strides = array<i32>} : memref<1024xf32, #tpu.memory_space<vmem>>, vector<16xf32>,
      %parallel_loop3A_131 = vector.shape_cast %parallel_loop3A_130 : vector<16xf32> to vector<16xf32>
      %parallel_loop3A_132 = arith.constant 16 : i32
      %parallel_loop3A_133 = arith.muli %parallel_loop3A_118, %parallel_loop3A_132 : i32
      %parallel_loop3A_134 = arith.index_cast %parallel_loop3A_133 : i32 to index
      %parallel_loop3A_135 = tpu.vector_load %arg9[%parallel_loop3A_134] {strides = array<i32>} : memref<1024xf32, #tpu.memory_space<vmem>>, vector<16xf32>,
      %parallel_loop3A_136 = vector.shape_cast %parallel_loop3A_135 : vector<16xf32> to vector<16xf32>
      %parallel_loop3A_137 = arith.constant 16 : i32
      %parallel_loop3A_138 = arith.muli %parallel_loop3A_118, %parallel_loop3A_137 : i32
      %parallel_loop3A_139 = arith.index_cast %parallel_loop3A_138 : i32 to index
      %parallel_loop3A_140 = tpu.vector_load %arg10[%parallel_loop3A_139] {strides = array<i32>} : memref<1024xi32, #tpu.memory_space<vmem>>, vector<16xi32>,
      %parallel_loop3A_141 = vector.shape_cast %parallel_loop3A_140 : vector<16xi32> to vector<16xi32>
      %parallel_loop3A_142 = arith.sitofp %parallel_loop3A_141 : vector<16xi32> to vector<16xf32>
      %parallel_loop3A_143 = arith.constant 1.562500e-02 : f32
      %parallel_loop3A_144 = vector.broadcast %parallel_loop3A_143 : f32 to vector<16xf32>
      %parallel_loop3A_145 = arith.mulf %parallel_loop3A_142, %parallel_loop3A_144 : vector<16xf32>
      %parallel_loop3A_146 = arith.constant 1.000000e+00 : f32
      %parallel_loop3A_147 = vector.broadcast %parallel_loop3A_146 : f32 to vector<16xf32>
      %parallel_loop3A_148 = arith.subf %parallel_loop3A_147, %parallel_loop3A_145 : vector<16xf32>
      %parallel_loop3A_149 = arith.constant 1.562500e-02 : f32
      %parallel_loop3A_150 = vector.broadcast %parallel_loop3A_149 : f32 to vector<16xf32>
      %parallel_loop3A_151 = arith.addf %parallel_loop3A_148, %parallel_loop3A_150 : vector<16xf32>
      %parallel_loop3A_152 = arith.divf %parallel_loop3A_148, %parallel_loop3A_151 : vector<16xf32>
      %parallel_loop3A_153 = arith.subf %parallel_loop3A_131, %parallel_loop3A_136 : vector<16xf32>
      %parallel_loop3A_154 = math.exp %parallel_loop3A_153 : vector<16xf32>
      %parallel_loop3A_155 = arith.constant 1.000000e+00 : f32
      %parallel_loop3A_156 = vector.broadcast %parallel_loop3A_155 : f32 to vector<16xf32>
      %parallel_loop3A_157 = arith.addf %parallel_loop3A_156, %parallel_loop3A_154 : vector<16xf32>
      %parallel_loop3A_158 = arith.constant 1.000000e+00 : f32
      %parallel_loop3A_159 = vector.broadcast %parallel_loop3A_158 : f32 to vector<16xf32>
      %parallel_loop3A_160 = arith.divf %parallel_loop3A_159, %parallel_loop3A_157 : vector<16xf32>
      %parallel_loop3A_161 = arith.constant 1.000000e+00 : f32
      %parallel_loop3A_162 = vector.broadcast %parallel_loop3A_161 : f32 to vector<16xf32>
      %parallel_loop3A_163 = arith.subf %parallel_loop3A_162, %parallel_loop3A_160 : vector<16xf32>
      %parallel_loop3A_164 = arith.mulf %parallel_loop3A_126, %parallel_loop3A_148 : vector<16xf32>
      %parallel_loop3A_165 = arith.mulf %parallel_loop3A_164, %parallel_loop3A_152 : vector<16xf32>
      %parallel_loop3A_166 = arith.constant 1.000000e+00 : f32
      %parallel_loop3A_167 = vector.broadcast %parallel_loop3A_166 : f32 to vector<16xf32>
      %parallel_loop3A_168 = arith.subf %parallel_loop3A_167, %parallel_loop3A_165 : vector<16xf32>
      %parallel_loop3A_169 = arith.mulf %parallel_loop3A_163, %parallel_loop3A_151 : vector<16xf32>
      %parallel_loop3A_170 = arith.constant 1.000000e+00 : f32
      %parallel_loop3A_171 = vector.broadcast %parallel_loop3A_170 : f32 to vector<16xf32>
      %parallel_loop3A_172 = arith.subf %parallel_loop3A_171, %parallel_loop3A_151 : vector<16xf32>
      %parallel_loop3A_173 = arith.addf %parallel_loop3A_169, %parallel_loop3A_172 : vector<16xf32>
      %parallel_loop3A_174 = arith.mulf %parallel_loop3A_173, %parallel_loop3A_168 : vector<16xf32>
      %parallel_loop3A_175 = arith.mulf %parallel_loop3A_160, %parallel_loop3A_151 : vector<16xf32>
      %parallel_loop3A_176 = arith.mulf %parallel_loop3A_175, %parallel_loop3A_165 : vector<16xf32>
      %parallel_loop3A_177 = arith.addf %parallel_loop3A_174, %parallel_loop3A_176 : vector<16xf32>
      %parallel_loop3A_178 = arith.constant 9.99999997E-7 : f32
      %parallel_loop3A_179 = vector.broadcast %parallel_loop3A_178 : f32 to vector<16xf32>
      %parallel_loop3A_180 = arith.addf %parallel_loop3A_177, %parallel_loop3A_179 : vector<16xf32>
      %parallel_loop3A_181 = arith.constant 1.000000e+00 : f32
      %parallel_loop3A_182 = vector.broadcast %parallel_loop3A_181 : f32 to vector<16xf32>
      %parallel_loop3A_183 = arith.divf %parallel_loop3A_182, %parallel_loop3A_180 : vector<16xf32>
      %parallel_loop3A_184 = arith.constant 1.000000e+00 : f32
      %parallel_loop3A_185 = vector.broadcast %parallel_loop3A_184 : f32 to vector<16xf32>
      %parallel_loop3A_186 = arith.cmpf oeq, %parallel_loop3A_142, %parallel_loop3A_185 : vector<16xf32>
      %parallel_loop3A_187 = arith.mulf %parallel_loop3A_174, %parallel_loop3A_183 : vector<16xf32>
      %parallel_loop3A_188 = arith.select %parallel_loop3A_186, %parallel_loop3A_163, %parallel_loop3A_187 : vector<16xi1>, vector<16xf32>
      %parallel_loop3A_189 = arith.mulf %parallel_loop3A_176, %parallel_loop3A_183 : vector<16xf32>
      %parallel_loop3A_190 = arith.select %parallel_loop3A_186, %parallel_loop3A_160, %parallel_loop3A_189 : vector<16xi1>, vector<16xf32>
      %parallel_loop3A_191 = arith.constant 1.000000e+00 : f32
      %parallel_loop3A_192 = vector.broadcast %parallel_loop3A_191 : f32 to vector<16xf32>
      %parallel_loop3A_193 = arith.subf %parallel_loop3A_192, %parallel_loop3A_126 : vector<16xf32>
      %parallel_loop3A_194 = arith.mulf %parallel_loop3A_193, %parallel_loop3A_151 : vector<16xf32>
      %parallel_loop3A_195 = arith.constant 1.000000e+00 : f32
      %parallel_loop3A_196 = vector.broadcast %parallel_loop3A_195 : f32 to vector<16xf32>
      %parallel_loop3A_197 = arith.subf %parallel_loop3A_196, %parallel_loop3A_151 : vector<16xf32>
      %parallel_loop3A_198 = arith.addf %parallel_loop3A_194, %parallel_loop3A_197 : vector<16xf32>
      %parallel_loop3A_199 = arith.mulf %parallel_loop3A_198, %parallel_loop3A_168 : vector<16xf32>
      %parallel_loop3A_200 = arith.mulf %parallel_loop3A_126, %parallel_loop3A_151 : vector<16xf32>
      %parallel_loop3A_201 = arith.mulf %parallel_loop3A_200, %parallel_loop3A_165 : vector<16xf32>
      %parallel_loop3A_202 = arith.addf %parallel_loop3A_199, %parallel_loop3A_201 : vector<16xf32>
      %parallel_loop3A_203 = arith.constant 9.99999997E-7 : f32
      %parallel_loop3A_204 = vector.broadcast %parallel_loop3A_203 : f32 to vector<16xf32>
      %parallel_loop3A_205 = arith.addf %parallel_loop3A_202, %parallel_loop3A_204 : vector<16xf32>
      %parallel_loop3A_206 = arith.constant 1.000000e+00 : f32
      %parallel_loop3A_207 = vector.broadcast %parallel_loop3A_206 : f32 to vector<16xf32>
      %parallel_loop3A_208 = arith.divf %parallel_loop3A_207, %parallel_loop3A_205 : vector<16xf32>
      %parallel_loop3A_209 = arith.mulf %parallel_loop3A_199, %parallel_loop3A_208 : vector<16xf32>
      %parallel_loop3A_210 = arith.constant 0.000000e+00 : f32
      %parallel_loop3A_211 = arith.constant 1.000000e+00 : f32
      %parallel_loop3A_212 = vector.broadcast %parallel_loop3A_210 : f32 to vector<16xf32>
      %parallel_loop3A_213 = arith.maximumf %parallel_loop3A_212, %parallel_loop3A_209 : vector<16xf32>
      %parallel_loop3A_214 = vector.broadcast %parallel_loop3A_211 : f32 to vector<16xf32>
      %parallel_loop3A_215 = arith.minimumf %parallel_loop3A_214, %parallel_loop3A_213 : vector<16xf32>
      %parallel_loop3A_216 = arith.mulf %parallel_loop3A_201, %parallel_loop3A_208 : vector<16xf32>
      %parallel_loop3A_217 = arith.constant 0.000000e+00 : f32
      %parallel_loop3A_218 = arith.constant 1.000000e+00 : f32
      %parallel_loop3A_219 = vector.broadcast %parallel_loop3A_217 : f32 to vector<16xf32>
      %parallel_loop3A_220 = arith.maximumf %parallel_loop3A_219, %parallel_loop3A_216 : vector<16xf32>
      %parallel_loop3A_221 = vector.broadcast %parallel_loop3A_218 : f32 to vector<16xf32>
      %parallel_loop3A_222 = arith.minimumf %parallel_loop3A_221, %parallel_loop3A_220 : vector<16xf32>
      %parallel_loop3A_223 = arith.constant 9.99999997E-7 : f32
      %parallel_loop3A_224 = arith.constant 0.999998986 : f32
      %parallel_loop3A_225 = vector.broadcast %parallel_loop3A_223 : f32 to vector<16xf32>
      %parallel_loop3A_226 = arith.maximumf %parallel_loop3A_225, %parallel_loop3A_188 : vector<16xf32>
      %parallel_loop3A_227 = vector.broadcast %parallel_loop3A_224 : f32 to vector<16xf32>
      %parallel_loop3A_228 = arith.minimumf %parallel_loop3A_227, %parallel_loop3A_226 : vector<16xf32>
      %parallel_loop3A_229 = arith.constant 9.99999997E-7 : f32
      %parallel_loop3A_230 = arith.constant 0.999998986 : f32
      %parallel_loop3A_231 = vector.broadcast %parallel_loop3A_229 : f32 to vector<16xf32>
      %parallel_loop3A_232 = arith.maximumf %parallel_loop3A_231, %parallel_loop3A_190 : vector<16xf32>
      %parallel_loop3A_233 = vector.broadcast %parallel_loop3A_230 : f32 to vector<16xf32>
      %parallel_loop3A_234 = arith.minimumf %parallel_loop3A_233, %parallel_loop3A_232 : vector<16xf32>
      %parallel_loop3A_235 = tpu.bitcast %parallel_loop3A_228 : vector<16xf32> -> vector<16xi32>
      %parallel_loop3A_236 = arith.constant 23 : i32
      %parallel_loop3A_237 = vector.broadcast %parallel_loop3A_236 : i32 to vector<16xi32>
      %parallel_loop3A_238 = arith.shrui %parallel_loop3A_235, %parallel_loop3A_237 : vector<16xi32>
      %parallel_loop3A_239 = arith.constant 255 : i32
      %parallel_loop3A_240 = vector.broadcast %parallel_loop3A_239 : i32 to vector<16xi32>
      %parallel_loop3A_241 = arith.andi %parallel_loop3A_238, %parallel_loop3A_240 : vector<16xi32>
      %parallel_loop3A_242 = arith.constant 127 : i32
      %parallel_loop3A_243 = vector.broadcast %parallel_loop3A_242 : i32 to vector<16xi32>
      %parallel_loop3A_244 = arith.subi %parallel_loop3A_241, %parallel_loop3A_243 : vector<16xi32>
      %parallel_loop3A_245 = arith.constant 8388607 : i32
      %parallel_loop3A_246 = vector.broadcast %parallel_loop3A_245 : i32 to vector<16xi32>
      %parallel_loop3A_247 = arith.andi %parallel_loop3A_235, %parallel_loop3A_246 : vector<16xi32>
      %parallel_loop3A_248 = arith.constant 1065353216 : i32
      %parallel_loop3A_249 = vector.broadcast %parallel_loop3A_248 : i32 to vector<16xi32>
      %parallel_loop3A_250 = arith.ori %parallel_loop3A_247, %parallel_loop3A_249 : vector<16xi32>
      %parallel_loop3A_251 = tpu.bitcast %parallel_loop3A_250 : vector<16xi32> -> vector<16xf32>
      %parallel_loop3A_252 = arith.constant 1.41421354 : f32
      %parallel_loop3A_253 = vector.broadcast %parallel_loop3A_252 : f32 to vector<16xf32>
      %parallel_loop3A_254 = arith.cmpf ogt, %parallel_loop3A_251, %parallel_loop3A_253 : vector<16xf32>
      %parallel_loop3A_255 = arith.constant 5.000000e-01 : f32
      %parallel_loop3A_256 = vector.broadcast %parallel_loop3A_255 : f32 to vector<16xf32>
      %parallel_loop3A_257 = arith.mulf %parallel_loop3A_251, %parallel_loop3A_256 : vector<16xf32>
      %parallel_loop3A_258 = arith.select %parallel_loop3A_254, %parallel_loop3A_257, %parallel_loop3A_251 : vector<16xi1>, vector<16xf32>
      %parallel_loop3A_259 = arith.constant 1 : i32
      %parallel_loop3A_260 = vector.broadcast %parallel_loop3A_259 : i32 to vector<16xi32>
      %parallel_loop3A_261 = arith.addi %parallel_loop3A_244, %parallel_loop3A_260 : vector<16xi32>
      %parallel_loop3A_262 = arith.select %parallel_loop3A_254, %parallel_loop3A_261, %parallel_loop3A_244 : vector<16xi1>, vector<16xi32>
      %parallel_loop3A_263 = arith.sitofp %parallel_loop3A_262 : vector<16xi32> to vector<16xf32>
      %parallel_loop3A_264 = arith.constant 1.000000e+00 : f32
      %parallel_loop3A_265 = vector.broadcast %parallel_loop3A_264 : f32 to vector<16xf32>
      %parallel_loop3A_266 = arith.subf %parallel_loop3A_258, %parallel_loop3A_265 : vector<16xf32>
      %parallel_loop3A_267 = arith.constant -0.0984235331 : f32
      %parallel_loop3A_268 = vector.broadcast %parallel_loop3A_267 : f32 to vector<16xf32>
      %parallel_loop3A_269 = arith.mulf %parallel_loop3A_268, %parallel_loop3A_266 : vector<16xf32>
      %parallel_loop3A_270 = arith.constant 0.163658798 : f32
      %parallel_loop3A_271 = vector.broadcast %parallel_loop3A_270 : f32 to vector<16xf32>
      %parallel_loop3A_272 = arith.addf %parallel_loop3A_269, %parallel_loop3A_271 : vector<16xf32>
      %parallel_loop3A_273 = arith.mulf %parallel_loop3A_272, %parallel_loop3A_266 : vector<16xf32>
      %parallel_loop3A_274 = arith.constant -0.174059123 : f32
      %parallel_loop3A_275 = vector.broadcast %parallel_loop3A_274 : f32 to vector<16xf32>
      %parallel_loop3A_276 = arith.addf %parallel_loop3A_273, %parallel_loop3A_275 : vector<16xf32>
      %parallel_loop3A_277 = arith.mulf %parallel_loop3A_276, %parallel_loop3A_266 : vector<16xf32>
      %parallel_loop3A_278 = arith.constant 0.198828027 : f32
      %parallel_loop3A_279 = vector.broadcast %parallel_loop3A_278 : f32 to vector<16xf32>
      %parallel_loop3A_280 = arith.addf %parallel_loop3A_277, %parallel_loop3A_279 : vector<16xf32>
      %parallel_loop3A_281 = arith.mulf %parallel_loop3A_280, %parallel_loop3A_266 : vector<16xf32>
      %parallel_loop3A_282 = arith.constant -0.249521285 : f32
      %parallel_loop3A_283 = vector.broadcast %parallel_loop3A_282 : f32 to vector<16xf32>
      %parallel_loop3A_284 = arith.addf %parallel_loop3A_281, %parallel_loop3A_283 : vector<16xf32>
      %parallel_loop3A_285 = arith.mulf %parallel_loop3A_284, %parallel_loop3A_266 : vector<16xf32>
      %parallel_loop3A_286 = arith.constant 0.333357096 : f32
      %parallel_loop3A_287 = vector.broadcast %parallel_loop3A_286 : f32 to vector<16xf32>
      %parallel_loop3A_288 = arith.addf %parallel_loop3A_285, %parallel_loop3A_287 : vector<16xf32>
      %parallel_loop3A_289 = arith.mulf %parallel_loop3A_288, %parallel_loop3A_266 : vector<16xf32>
      %parallel_loop3A_290 = arith.constant -0.500009477 : f32
      %parallel_loop3A_291 = vector.broadcast %parallel_loop3A_290 : f32 to vector<16xf32>
      %parallel_loop3A_292 = arith.addf %parallel_loop3A_289, %parallel_loop3A_291 : vector<16xf32>
      %parallel_loop3A_293 = arith.mulf %parallel_loop3A_292, %parallel_loop3A_266 : vector<16xf32>
      %parallel_loop3A_294 = arith.constant 0.99999988 : f32
      %parallel_loop3A_295 = vector.broadcast %parallel_loop3A_294 : f32 to vector<16xf32>
      %parallel_loop3A_296 = arith.addf %parallel_loop3A_293, %parallel_loop3A_295 : vector<16xf32>
      %parallel_loop3A_297 = arith.mulf %parallel_loop3A_296, %parallel_loop3A_266 : vector<16xf32>
      %parallel_loop3A_298 = arith.constant 2.86110051E-8 : f32
      %parallel_loop3A_299 = vector.broadcast %parallel_loop3A_298 : f32 to vector<16xf32>
      %parallel_loop3A_300 = arith.addf %parallel_loop3A_297, %parallel_loop3A_299 : vector<16xf32>
      %parallel_loop3A_301 = arith.constant 0.693147182 : f32
      %parallel_loop3A_302 = vector.broadcast %parallel_loop3A_301 : f32 to vector<16xf32>
      %parallel_loop3A_303 = arith.mulf %parallel_loop3A_263, %parallel_loop3A_302 : vector<16xf32>
      %parallel_loop3A_304 = arith.addf %parallel_loop3A_300, %parallel_loop3A_303 : vector<16xf32>
      %parallel_loop3A_305 = tpu.bitcast %parallel_loop3A_234 : vector<16xf32> -> vector<16xi32>
      %parallel_loop3A_306 = arith.constant 23 : i32
      %parallel_loop3A_307 = vector.broadcast %parallel_loop3A_306 : i32 to vector<16xi32>
      %parallel_loop3A_308 = arith.shrui %parallel_loop3A_305, %parallel_loop3A_307 : vector<16xi32>
      %parallel_loop3A_309 = arith.constant 255 : i32
      %parallel_loop3A_310 = vector.broadcast %parallel_loop3A_309 : i32 to vector<16xi32>
      %parallel_loop3A_311 = arith.andi %parallel_loop3A_308, %parallel_loop3A_310 : vector<16xi32>
      %parallel_loop3A_312 = arith.constant 127 : i32
      %parallel_loop3A_313 = vector.broadcast %parallel_loop3A_312 : i32 to vector<16xi32>
      %parallel_loop3A_314 = arith.subi %parallel_loop3A_311, %parallel_loop3A_313 : vector<16xi32>
      %parallel_loop3A_315 = arith.constant 8388607 : i32
      %parallel_loop3A_316 = vector.broadcast %parallel_loop3A_315 : i32 to vector<16xi32>
      %parallel_loop3A_317 = arith.andi %parallel_loop3A_305, %parallel_loop3A_316 : vector<16xi32>
      %parallel_loop3A_318 = arith.constant 1065353216 : i32
      %parallel_loop3A_319 = vector.broadcast %parallel_loop3A_318 : i32 to vector<16xi32>
      %parallel_loop3A_320 = arith.ori %parallel_loop3A_317, %parallel_loop3A_319 : vector<16xi32>
      %parallel_loop3A_321 = tpu.bitcast %parallel_loop3A_320 : vector<16xi32> -> vector<16xf32>
      %parallel_loop3A_322 = arith.constant 1.41421354 : f32
      %parallel_loop3A_323 = vector.broadcast %parallel_loop3A_322 : f32 to vector<16xf32>
      %parallel_loop3A_324 = arith.cmpf ogt, %parallel_loop3A_321, %parallel_loop3A_323 : vector<16xf32>
      %parallel_loop3A_325 = arith.constant 5.000000e-01 : f32
      %parallel_loop3A_326 = vector.broadcast %parallel_loop3A_325 : f32 to vector<16xf32>
      %parallel_loop3A_327 = arith.mulf %parallel_loop3A_321, %parallel_loop3A_326 : vector<16xf32>
      %parallel_loop3A_328 = arith.select %parallel_loop3A_324, %parallel_loop3A_327, %parallel_loop3A_321 : vector<16xi1>, vector<16xf32>
      %parallel_loop3A_329 = arith.constant 1 : i32
      %parallel_loop3A_330 = vector.broadcast %parallel_loop3A_329 : i32 to vector<16xi32>
      %parallel_loop3A_331 = arith.addi %parallel_loop3A_314, %parallel_loop3A_330 : vector<16xi32>
      %parallel_loop3A_332 = arith.select %parallel_loop3A_324, %parallel_loop3A_331, %parallel_loop3A_314 : vector<16xi1>, vector<16xi32>
      %parallel_loop3A_333 = arith.sitofp %parallel_loop3A_332 : vector<16xi32> to vector<16xf32>
      %parallel_loop3A_334 = arith.constant 1.000000e+00 : f32
      %parallel_loop3A_335 = vector.broadcast %parallel_loop3A_334 : f32 to vector<16xf32>
      %parallel_loop3A_336 = arith.subf %parallel_loop3A_328, %parallel_loop3A_335 : vector<16xf32>
      %parallel_loop3A_337 = arith.constant -0.0984235331 : f32
      %parallel_loop3A_338 = vector.broadcast %parallel_loop3A_337 : f32 to vector<16xf32>
      %parallel_loop3A_339 = arith.mulf %parallel_loop3A_338, %parallel_loop3A_336 : vector<16xf32>
      %parallel_loop3A_340 = arith.constant 0.163658798 : f32
      %parallel_loop3A_341 = vector.broadcast %parallel_loop3A_340 : f32 to vector<16xf32>
      %parallel_loop3A_342 = arith.addf %parallel_loop3A_339, %parallel_loop3A_341 : vector<16xf32>
      %parallel_loop3A_343 = arith.mulf %parallel_loop3A_342, %parallel_loop3A_336 : vector<16xf32>
      %parallel_loop3A_344 = arith.constant -0.174059123 : f32
      %parallel_loop3A_345 = vector.broadcast %parallel_loop3A_344 : f32 to vector<16xf32>
      %parallel_loop3A_346 = arith.addf %parallel_loop3A_343, %parallel_loop3A_345 : vector<16xf32>
      %parallel_loop3A_347 = arith.mulf %parallel_loop3A_346, %parallel_loop3A_336 : vector<16xf32>
      %parallel_loop3A_348 = arith.constant 0.198828027 : f32
      %parallel_loop3A_349 = vector.broadcast %parallel_loop3A_348 : f32 to vector<16xf32>
      %parallel_loop3A_350 = arith.addf %parallel_loop3A_347, %parallel_loop3A_349 : vector<16xf32>
      %parallel_loop3A_351 = arith.mulf %parallel_loop3A_350, %parallel_loop3A_336 : vector<16xf32>
      %parallel_loop3A_352 = arith.constant -0.249521285 : f32
      %parallel_loop3A_353 = vector.broadcast %parallel_loop3A_352 : f32 to vector<16xf32>
      %parallel_loop3A_354 = arith.addf %parallel_loop3A_351, %parallel_loop3A_353 : vector<16xf32>
      %parallel_loop3A_355 = arith.mulf %parallel_loop3A_354, %parallel_loop3A_336 : vector<16xf32>
      %parallel_loop3A_356 = arith.constant 0.333357096 : f32
      %parallel_loop3A_357 = vector.broadcast %parallel_loop3A_356 : f32 to vector<16xf32>
      %parallel_loop3A_358 = arith.addf %parallel_loop3A_355, %parallel_loop3A_357 : vector<16xf32>
      %parallel_loop3A_359 = arith.mulf %parallel_loop3A_358, %parallel_loop3A_336 : vector<16xf32>
      %parallel_loop3A_360 = arith.constant -0.500009477 : f32
      %parallel_loop3A_361 = vector.broadcast %parallel_loop3A_360 : f32 to vector<16xf32>
      %parallel_loop3A_362 = arith.addf %parallel_loop3A_359, %parallel_loop3A_361 : vector<16xf32>
      %parallel_loop3A_363 = arith.mulf %parallel_loop3A_362, %parallel_loop3A_336 : vector<16xf32>
      %parallel_loop3A_364 = arith.constant 0.99999988 : f32
      %parallel_loop3A_365 = vector.broadcast %parallel_loop3A_364 : f32 to vector<16xf32>
      %parallel_loop3A_366 = arith.addf %parallel_loop3A_363, %parallel_loop3A_365 : vector<16xf32>
      %parallel_loop3A_367 = arith.mulf %parallel_loop3A_366, %parallel_loop3A_336 : vector<16xf32>
      %parallel_loop3A_368 = arith.constant 2.86110051E-8 : f32
      %parallel_loop3A_369 = vector.broadcast %parallel_loop3A_368 : f32 to vector<16xf32>
      %parallel_loop3A_370 = arith.addf %parallel_loop3A_367, %parallel_loop3A_369 : vector<16xf32>
      %parallel_loop3A_371 = arith.constant 0.693147182 : f32
      %parallel_loop3A_372 = vector.broadcast %parallel_loop3A_371 : f32 to vector<16xf32>
      %parallel_loop3A_373 = arith.mulf %parallel_loop3A_333, %parallel_loop3A_372 : vector<16xf32>
      %parallel_loop3A_374 = arith.addf %parallel_loop3A_370, %parallel_loop3A_373 : vector<16xf32>
      %parallel_loop3A_375 = arith.constant 1.000000e+00 : f32
      %parallel_loop3A_376 = vector.broadcast %parallel_loop3A_375 : f32 to vector<16xf32>
      %parallel_loop3A_377 = arith.addf %parallel_loop3A_215, %parallel_loop3A_376 : vector<16xf32>
      %parallel_loop3A_378 = arith.subf %parallel_loop3A_377, %parallel_loop3A_222 : vector<16xf32>
      %parallel_loop3A_379 = arith.mulf %parallel_loop3A_378, %parallel_loop3A_304 : vector<16xf32>
      %parallel_loop3A_380 = arith.constant 1.000000e+00 : f32
      %parallel_loop3A_381 = vector.broadcast %parallel_loop3A_380 : f32 to vector<16xf32>
      %parallel_loop3A_382 = arith.subf %parallel_loop3A_381, %parallel_loop3A_215 : vector<16xf32>
      %parallel_loop3A_383 = arith.addf %parallel_loop3A_382, %parallel_loop3A_222 : vector<16xf32>
      %parallel_loop3A_384 = arith.mulf %parallel_loop3A_383, %parallel_loop3A_374 : vector<16xf32>
      %parallel_loop3A_385 = arith.addf %parallel_loop3A_379, %parallel_loop3A_384 : vector<16xf32>
      %parallel_loop3A_386 = arith.constant 0.000000e+00 : f32
      %parallel_loop3A_387 = vector.broadcast %parallel_loop3A_386 : f32 to vector<16xf32>
      %parallel_loop3A_388 = arith.subf %parallel_loop3A_387, %parallel_loop3A_385 : vector<16xf32>
      %parallel_loop3A_389 = arith.constant 0.000000e+00 : f32
      %parallel_loop3A_390 = vector.broadcast %parallel_loop3A_389 : f32 to vector<16xf32>
      %parallel_loop3A_391 = arith.maximumf %parallel_loop3A_131, %parallel_loop3A_390 : vector<16xf32>
      %parallel_loop3A_392 = arith.constant 1.000000e+00 : f32
      %parallel_loop3A_393 = vector.broadcast %parallel_loop3A_392 : f32 to vector<16xf32>
      %parallel_loop3A_394 = arith.subf %parallel_loop3A_393, %parallel_loop3A_126 : vector<16xf32>
      %parallel_loop3A_395 = arith.mulf %parallel_loop3A_131, %parallel_loop3A_394 : vector<16xf32>
      %parallel_loop3A_396 = arith.subf %parallel_loop3A_391, %parallel_loop3A_395 : vector<16xf32>
      %parallel_loop3A_397 = math.absf %parallel_loop3A_131 : vector<16xf32>
      %parallel_loop3A_398 = arith.constant 0.000000e+00 : f32
      %parallel_loop3A_399 = vector.broadcast %parallel_loop3A_398 : f32 to vector<16xf32>
      %parallel_loop3A_400 = arith.subf %parallel_loop3A_399, %parallel_loop3A_397 : vector<16xf32>
      %parallel_loop3A_401 = math.exp %parallel_loop3A_400 : vector<16xf32>
      %parallel_loop3A_402 = arith.constant 0.00375262415 : f32
      %parallel_loop3A_403 = vector.broadcast %parallel_loop3A_402 : f32 to vector<16xf32>
      %parallel_loop3A_404 = arith.mulf %parallel_loop3A_403, %parallel_loop3A_401 : vector<16xf32>
      %parallel_loop3A_405 = arith.constant -0.0230382793 : f32
      %parallel_loop3A_406 = vector.broadcast %parallel_loop3A_405 : f32 to vector<16xf32>
      %parallel_loop3A_407 = arith.addf %parallel_loop3A_404, %parallel_loop3A_406 : vector<16xf32>
      %parallel_loop3A_408 = arith.mulf %parallel_loop3A_407, %parallel_loop3A_401 : vector<16xf32>
      %parallel_loop3A_409 = arith.constant 0.0665124804 : f32
      %parallel_loop3A_410 = vector.broadcast %parallel_loop3A_409 : f32 to vector<16xf32>
      %parallel_loop3A_411 = arith.addf %parallel_loop3A_408, %parallel_loop3A_410 : vector<16xf32>
      %parallel_loop3A_412 = arith.mulf %parallel_loop3A_411, %parallel_loop3A_401 : vector<16xf32>
      %parallel_loop3A_413 = arith.constant -0.125266612 : f32
      %parallel_loop3A_414 = vector.broadcast %parallel_loop3A_413 : f32 to vector<16xf32>
      %parallel_loop3A_415 = arith.addf %parallel_loop3A_412, %parallel_loop3A_414 : vector<16xf32>
      %parallel_loop3A_416 = arith.mulf %parallel_loop3A_415, %parallel_loop3A_401 : vector<16xf32>
      %parallel_loop3A_417 = arith.constant 0.184688479 : f32
      %parallel_loop3A_418 = vector.broadcast %parallel_loop3A_417 : f32 to vector<16xf32>
      %parallel_loop3A_419 = arith.addf %parallel_loop3A_416, %parallel_loop3A_418 : vector<16xf32>
      %parallel_loop3A_420 = arith.mulf %parallel_loop3A_419, %parallel_loop3A_401 : vector<16xf32>
      %parallel_loop3A_421 = arith.constant -0.246356606 : f32
      %parallel_loop3A_422 = vector.broadcast %parallel_loop3A_421 : f32 to vector<16xf32>
      %parallel_loop3A_423 = arith.addf %parallel_loop3A_420, %parallel_loop3A_422 : vector<16xf32>
      %parallel_loop3A_424 = arith.mulf %parallel_loop3A_423, %parallel_loop3A_401 : vector<16xf32>
      %parallel_loop3A_425 = arith.constant 0.332818419 : f32
      %parallel_loop3A_426 = vector.broadcast %parallel_loop3A_425 : f32 to vector<16xf32>
      %parallel_loop3A_427 = arith.addf %parallel_loop3A_424, %parallel_loop3A_426 : vector<16xf32>
      %parallel_loop3A_428 = arith.mulf %parallel_loop3A_427, %parallel_loop3A_401 : vector<16xf32>
      %parallel_loop3A_429 = arith.constant -0.49996224 : f32
      %parallel_loop3A_430 = vector.broadcast %parallel_loop3A_429 : f32 to vector<16xf32>
      %parallel_loop3A_431 = arith.addf %parallel_loop3A_428, %parallel_loop3A_430 : vector<16xf32>
      %parallel_loop3A_432 = arith.mulf %parallel_loop3A_431, %parallel_loop3A_401 : vector<16xf32>
      %parallel_loop3A_433 = arith.constant 0.999998927 : f32
      %parallel_loop3A_434 = vector.broadcast %parallel_loop3A_433 : f32 to vector<16xf32>
      %parallel_loop3A_435 = arith.addf %parallel_loop3A_432, %parallel_loop3A_434 : vector<16xf32>
      %parallel_loop3A_436 = arith.mulf %parallel_loop3A_435, %parallel_loop3A_401 : vector<16xf32>
      %parallel_loop3A_437 = arith.constant 5.23940313E-9 : f32
      %parallel_loop3A_438 = vector.broadcast %parallel_loop3A_437 : f32 to vector<16xf32>
      %parallel_loop3A_439 = arith.addf %parallel_loop3A_436, %parallel_loop3A_438 : vector<16xf32>
      %parallel_loop3A_440 = arith.addf %parallel_loop3A_396, %parallel_loop3A_439 : vector<16xf32>
      %parallel_loop3A_441 = arith.constant 0.000000e+00 : f32
      %parallel_loop3A_442 = vector.broadcast %parallel_loop3A_441 : f32 to vector<16xf32>
      %parallel_loop3A_443 = arith.maximumf %parallel_loop3A_136, %parallel_loop3A_442 : vector<16xf32>
      %parallel_loop3A_444 = arith.mulf %parallel_loop3A_136, %parallel_loop3A_126 : vector<16xf32>
      %parallel_loop3A_445 = arith.subf %parallel_loop3A_443, %parallel_loop3A_444 : vector<16xf32>
      %parallel_loop3A_446 = math.absf %parallel_loop3A_136 : vector<16xf32>
      %parallel_loop3A_447 = arith.constant 0.000000e+00 : f32
      %parallel_loop3A_448 = vector.broadcast %parallel_loop3A_447 : f32 to vector<16xf32>
      %parallel_loop3A_449 = arith.subf %parallel_loop3A_448, %parallel_loop3A_446 : vector<16xf32>
      %parallel_loop3A_450 = math.exp %parallel_loop3A_449 : vector<16xf32>
      %parallel_loop3A_451 = arith.constant 0.00375262415 : f32
      %parallel_loop3A_452 = vector.broadcast %parallel_loop3A_451 : f32 to vector<16xf32>
      %parallel_loop3A_453 = arith.mulf %parallel_loop3A_452, %parallel_loop3A_450 : vector<16xf32>
      %parallel_loop3A_454 = arith.constant -0.0230382793 : f32
      %parallel_loop3A_455 = vector.broadcast %parallel_loop3A_454 : f32 to vector<16xf32>
      %parallel_loop3A_456 = arith.addf %parallel_loop3A_453, %parallel_loop3A_455 : vector<16xf32>
      %parallel_loop3A_457 = arith.mulf %parallel_loop3A_456, %parallel_loop3A_450 : vector<16xf32>
      %parallel_loop3A_458 = arith.constant 0.0665124804 : f32
      %parallel_loop3A_459 = vector.broadcast %parallel_loop3A_458 : f32 to vector<16xf32>
      %parallel_loop3A_460 = arith.addf %parallel_loop3A_457, %parallel_loop3A_459 : vector<16xf32>
      %parallel_loop3A_461 = arith.mulf %parallel_loop3A_460, %parallel_loop3A_450 : vector<16xf32>
      %parallel_loop3A_462 = arith.constant -0.125266612 : f32
      %parallel_loop3A_463 = vector.broadcast %parallel_loop3A_462 : f32 to vector<16xf32>
      %parallel_loop3A_464 = arith.addf %parallel_loop3A_461, %parallel_loop3A_463 : vector<16xf32>
      %parallel_loop3A_465 = arith.mulf %parallel_loop3A_464, %parallel_loop3A_450 : vector<16xf32>
      %parallel_loop3A_466 = arith.constant 0.184688479 : f32
      %parallel_loop3A_467 = vector.broadcast %parallel_loop3A_466 : f32 to vector<16xf32>
      %parallel_loop3A_468 = arith.addf %parallel_loop3A_465, %parallel_loop3A_467 : vector<16xf32>
      %parallel_loop3A_469 = arith.mulf %parallel_loop3A_468, %parallel_loop3A_450 : vector<16xf32>
      %parallel_loop3A_470 = arith.constant -0.246356606 : f32
      %parallel_loop3A_471 = vector.broadcast %parallel_loop3A_470 : f32 to vector<16xf32>
      %parallel_loop3A_472 = arith.addf %parallel_loop3A_469, %parallel_loop3A_471 : vector<16xf32>
      %parallel_loop3A_473 = arith.mulf %parallel_loop3A_472, %parallel_loop3A_450 : vector<16xf32>
      %parallel_loop3A_474 = arith.constant 0.332818419 : f32
      %parallel_loop3A_475 = vector.broadcast %parallel_loop3A_474 : f32 to vector<16xf32>
      %parallel_loop3A_476 = arith.addf %parallel_loop3A_473, %parallel_loop3A_475 : vector<16xf32>
      %parallel_loop3A_477 = arith.mulf %parallel_loop3A_476, %parallel_loop3A_450 : vector<16xf32>
      %parallel_loop3A_478 = arith.constant -0.49996224 : f32
      %parallel_loop3A_479 = vector.broadcast %parallel_loop3A_478 : f32 to vector<16xf32>
      %parallel_loop3A_480 = arith.addf %parallel_loop3A_477, %parallel_loop3A_479 : vector<16xf32>
      %parallel_loop3A_481 = arith.mulf %parallel_loop3A_480, %parallel_loop3A_450 : vector<16xf32>
      %parallel_loop3A_482 = arith.constant 0.999998927 : f32
      %parallel_loop3A_483 = vector.broadcast %parallel_loop3A_482 : f32 to vector<16xf32>
      %parallel_loop3A_484 = arith.addf %parallel_loop3A_481, %parallel_loop3A_483 : vector<16xf32>
      %parallel_loop3A_485 = arith.mulf %parallel_loop3A_484, %parallel_loop3A_450 : vector<16xf32>
      %parallel_loop3A_486 = arith.constant 5.23940313E-9 : f32
      %parallel_loop3A_487 = vector.broadcast %parallel_loop3A_486 : f32 to vector<16xf32>
      %parallel_loop3A_488 = arith.addf %parallel_loop3A_485, %parallel_loop3A_487 : vector<16xf32>
      %parallel_loop3A_489 = arith.addf %parallel_loop3A_445, %parallel_loop3A_488 : vector<16xf32>
      %parallel_loop3A_490 = arith.cmpf ogt, %parallel_loop3A_136, %parallel_loop3A_131 : vector<16xf32>
      %parallel_loop3A_491 = arith.constant 1.000000e+00 : f32
      %parallel_loop3A_492 = arith.constant 0.000000e+00 : f32
      %parallel_loop3A_493 = vector.broadcast %parallel_loop3A_491 : f32 to vector<16xf32>
      %parallel_loop3A_494 = vector.broadcast %parallel_loop3A_492 : f32 to vector<16xf32>
      %parallel_loop3A_495 = arith.select %parallel_loop3A_490, %parallel_loop3A_493, %parallel_loop3A_494 : vector<16xi1>, vector<16xf32>
      %parallel_loop3A_496 = arith.cmpf oeq, %parallel_loop3A_495, %parallel_loop3A_126 : vector<16xf32>
      %parallel_loop3A_497 = arith.constant 1.000000e+00 : f32
      %parallel_loop3A_498 = arith.constant 0.000000e+00 : f32
      %parallel_loop3A_499 = vector.broadcast %parallel_loop3A_497 : f32 to vector<16xf32>
      %parallel_loop3A_500 = vector.broadcast %parallel_loop3A_498 : f32 to vector<16xf32>
      %parallel_loop3A_501 = arith.select %parallel_loop3A_496, %parallel_loop3A_499, %parallel_loop3A_500 : vector<16xi1>, vector<16xf32>
      %parallel_loop3A_502 = arith.addf %parallel_loop3A_440, %parallel_loop3A_489 : vector<16xf32>
      %parallel_loop3A_503 = arith.addf %parallel_loop3A_119, %parallel_loop3A_502 : vector<16xf32>
      %parallel_loop3A_504 = arith.addf %parallel_loop3A_120, %parallel_loop3A_388 : vector<16xf32>
      %parallel_loop3A_505 = arith.addf %parallel_loop3A_121, %parallel_loop3A_501 : vector<16xf32>
      scf.yield %parallel_loop3A_503, %parallel_loop3A_504, %parallel_loop3A_505 : vector<16xf32>, vector<16xf32>, vector<16xf32>
    } {sc.loop_unroll_factor = 8 : i64, sc.parallel_access}
    %iota3A = tpu.iota {dimensions = array<i32: 0>} : vector<16xi32>
    %xor3A = arith.constant 8 : i32
    %xor3A_21 = vector.broadcast %xor3A : i32 to vector<16xi32>
    %xor3A_22 = arith.xori %iota3A, %xor3A_21 : vector<16xi32>
    %broadcast_in_dim3A_23 = vector.shape_cast %xor3A_22 : vector<16xi32> to vector<16x1xi32>
    %gather3A = vector.shape_cast %broadcast_in_dim3A_23 : vector<16x1xi32> to vector<16xi32>
    %gather3A_24 = tpu.dynamic_gather %parallel_loop3A_20#0[%gather3A] in [0] : vector<16xf32>, vector<16xi32> -> vector<16xf32>
    %add3A_25 = arith.addf %parallel_loop3A_20#0, %gather3A_24 : vector<16xf32>
    %xor3A_26 = arith.constant 4 : i32
    %xor3A_27 = vector.broadcast %xor3A_26 : i32 to vector<16xi32>
    %xor3A_28 = arith.xori %iota3A, %xor3A_27 : vector<16xi32>
    %broadcast_in_dim3A_29 = vector.shape_cast %xor3A_28 : vector<16xi32> to vector<16x1xi32>
    %gather3A_30 = vector.shape_cast %broadcast_in_dim3A_29 : vector<16x1xi32> to vector<16xi32>
    %gather3A_31 = tpu.dynamic_gather %add3A_25[%gather3A_30] in [0] : vector<16xf32>, vector<16xi32> -> vector<16xf32>
    %add3A_32 = arith.addf %add3A_25, %gather3A_31 : vector<16xf32>
    %xor3A_33 = arith.constant 2 : i32
    %xor3A_34 = vector.broadcast %xor3A_33 : i32 to vector<16xi32>
    %xor3A_35 = arith.xori %iota3A, %xor3A_34 : vector<16xi32>
    %broadcast_in_dim3A_36 = vector.shape_cast %xor3A_35 : vector<16xi32> to vector<16x1xi32>
    %gather3A_37 = vector.shape_cast %broadcast_in_dim3A_36 : vector<16x1xi32> to vector<16xi32>
    %gather3A_38 = tpu.dynamic_gather %add3A_32[%gather3A_37] in [0] : vector<16xf32>, vector<16xi32> -> vector<16xf32>
    %add3A_39 = arith.addf %add3A_32, %gather3A_38 : vector<16xf32>
    %xor3A_40 = arith.constant 1 : i32
    %xor3A_41 = vector.broadcast %xor3A_40 : i32 to vector<16xi32>
    %xor3A_42 = arith.xori %iota3A, %xor3A_41 : vector<16xi32>
    %broadcast_in_dim3A_43 = vector.shape_cast %xor3A_42 : vector<16xi32> to vector<16x1xi32>
    %gather3A_44 = vector.shape_cast %broadcast_in_dim3A_43 : vector<16x1xi32> to vector<16xi32>
    %gather3A_45 = tpu.dynamic_gather %add3A_39[%gather3A_44] in [0] : vector<16xf32>, vector<16xi32> -> vector<16xf32>
    %add3A_46 = arith.addf %add3A_39, %gather3A_45 : vector<16xf32>
    %xor3A_47 = arith.constant 8 : i32
    %xor3A_48 = vector.broadcast %xor3A_47 : i32 to vector<16xi32>
    %xor3A_49 = arith.xori %iota3A, %xor3A_48 : vector<16xi32>
    %broadcast_in_dim3A_50 = vector.shape_cast %xor3A_49 : vector<16xi32> to vector<16x1xi32>
    %gather3A_51 = vector.shape_cast %broadcast_in_dim3A_50 : vector<16x1xi32> to vector<16xi32>
    %gather3A_52 = tpu.dynamic_gather %parallel_loop3A_20#1[%gather3A_51] in [0] : vector<16xf32>, vector<16xi32> -> vector<16xf32>
    %add3A_53 = arith.addf %parallel_loop3A_20#1, %gather3A_52 : vector<16xf32>
    %xor3A_54 = arith.constant 4 : i32
    %xor3A_55 = vector.broadcast %xor3A_54 : i32 to vector<16xi32>
    %xor3A_56 = arith.xori %iota3A, %xor3A_55 : vector<16xi32>
    %broadcast_in_dim3A_57 = vector.shape_cast %xor3A_56 : vector<16xi32> to vector<16x1xi32>
    %gather3A_58 = vector.shape_cast %broadcast_in_dim3A_57 : vector<16x1xi32> to vector<16xi32>
    %gather3A_59 = tpu.dynamic_gather %add3A_53[%gather3A_58] in [0] : vector<16xf32>, vector<16xi32> -> vector<16xf32>
    %add3A_60 = arith.addf %add3A_53, %gather3A_59 : vector<16xf32>
    %xor3A_61 = arith.constant 2 : i32
    %xor3A_62 = vector.broadcast %xor3A_61 : i32 to vector<16xi32>
    %xor3A_63 = arith.xori %iota3A, %xor3A_62 : vector<16xi32>
    %broadcast_in_dim3A_64 = vector.shape_cast %xor3A_63 : vector<16xi32> to vector<16x1xi32>
    %gather3A_65 = vector.shape_cast %broadcast_in_dim3A_64 : vector<16x1xi32> to vector<16xi32>
    %gather3A_66 = tpu.dynamic_gather %add3A_60[%gather3A_65] in [0] : vector<16xf32>, vector<16xi32> -> vector<16xf32>
    %add3A_67 = arith.addf %add3A_60, %gather3A_66 : vector<16xf32>
    %xor3A_68 = arith.constant 1 : i32
    %xor3A_69 = vector.broadcast %xor3A_68 : i32 to vector<16xi32>
    %xor3A_70 = arith.xori %iota3A, %xor3A_69 : vector<16xi32>
    %broadcast_in_dim3A_71 = vector.shape_cast %xor3A_70 : vector<16xi32> to vector<16x1xi32>
    %gather3A_72 = vector.shape_cast %broadcast_in_dim3A_71 : vector<16x1xi32> to vector<16xi32>
    %gather3A_73 = tpu.dynamic_gather %add3A_67[%gather3A_72] in [0] : vector<16xf32>, vector<16xi32> -> vector<16xf32>
    %add3A_74 = arith.addf %add3A_67, %gather3A_73 : vector<16xf32>
    %xor3A_75 = arith.constant 8 : i32
    %xor3A_76 = vector.broadcast %xor3A_75 : i32 to vector<16xi32>
    %xor3A_77 = arith.xori %iota3A, %xor3A_76 : vector<16xi32>
    %broadcast_in_dim3A_78 = vector.shape_cast %xor3A_77 : vector<16xi32> to vector<16x1xi32>
    %gather3A_79 = vector.shape_cast %broadcast_in_dim3A_78 : vector<16x1xi32> to vector<16xi32>
    %gather3A_80 = tpu.dynamic_gather %parallel_loop3A_20#2[%gather3A_79] in [0] : vector<16xf32>, vector<16xi32> -> vector<16xf32>
    %add3A_81 = arith.addf %parallel_loop3A_20#2, %gather3A_80 : vector<16xf32>
    %xor3A_82 = arith.constant 4 : i32
    %xor3A_83 = vector.broadcast %xor3A_82 : i32 to vector<16xi32>
    %xor3A_84 = arith.xori %iota3A, %xor3A_83 : vector<16xi32>
    %broadcast_in_dim3A_85 = vector.shape_cast %xor3A_84 : vector<16xi32> to vector<16x1xi32>
    %gather3A_86 = vector.shape_cast %broadcast_in_dim3A_85 : vector<16x1xi32> to vector<16xi32>
    %gather3A_87 = tpu.dynamic_gather %add3A_81[%gather3A_86] in [0] : vector<16xf32>, vector<16xi32> -> vector<16xf32>
    %add3A_88 = arith.addf %add3A_81, %gather3A_87 : vector<16xf32>
    %xor3A_89 = arith.constant 2 : i32
    %xor3A_90 = vector.broadcast %xor3A_89 : i32 to vector<16xi32>
    %xor3A_91 = arith.xori %iota3A, %xor3A_90 : vector<16xi32>
    %broadcast_in_dim3A_92 = vector.shape_cast %xor3A_91 : vector<16xi32> to vector<16x1xi32>
    %gather3A_93 = vector.shape_cast %broadcast_in_dim3A_92 : vector<16x1xi32> to vector<16xi32>
    %gather3A_94 = tpu.dynamic_gather %add3A_88[%gather3A_93] in [0] : vector<16xf32>, vector<16xi32> -> vector<16xf32>
    %add3A_95 = arith.addf %add3A_88, %gather3A_94 : vector<16xf32>
    %xor3A_96 = arith.constant 1 : i32
    %xor3A_97 = vector.broadcast %xor3A_96 : i32 to vector<16xi32>
    %xor3A_98 = arith.xori %iota3A, %xor3A_97 : vector<16xi32>
    %broadcast_in_dim3A_99 = vector.shape_cast %xor3A_98 : vector<16xi32> to vector<16x1xi32>
    %gather3A_100 = vector.shape_cast %broadcast_in_dim3A_99 : vector<16x1xi32> to vector<16xi32>
    %gather3A_101 = tpu.dynamic_gather %add3A_95[%gather3A_100] in [0] : vector<16xf32>, vector<16xi32> -> vector<16xf32>
    %add3A_102 = arith.addf %add3A_95, %gather3A_101 : vector<16xf32>
    %eq3A = arith.constant 0 : i32
    %eq3A_103 = vector.broadcast %eq3A : i32 to vector<16xi32>
    %eq3A_104 = arith.cmpi eq, %iota3A, %eq3A_103 : vector<16xi32>
    %select_n3A = arith.select %eq3A_104, %add3A_46, %broadcast_in_dim3A_17 : vector<16xi1>, vector<16xf32>
    %eq3A_105 = arith.constant 1 : i32
    %eq3A_106 = vector.broadcast %eq3A_105 : i32 to vector<16xi32>
    %eq3A_107 = arith.cmpi eq, %iota3A, %eq3A_106 : vector<16xi32>
    %select_n3A_108 = arith.select %eq3A_107, %add3A_74, %broadcast_in_dim3A_17 : vector<16xi1>, vector<16xf32>
    %add3A_109 = arith.addf %select_n3A, %select_n3A_108 : vector<16xf32>
    %eq3A_110 = arith.constant 2 : i32
    %eq3A_111 = vector.broadcast %eq3A_110 : i32 to vector<16xi32>
    %eq3A_112 = arith.cmpi eq, %iota3A, %eq3A_111 : vector<16xi32>
    %select_n3A_113 = arith.select %eq3A_112, %add3A_102, %broadcast_in_dim3A_17 : vector<16xi1>, vector<16xf32>
    %add3A_114 = arith.addf %add3A_109, %select_n3A_113 : vector<16xf32>
    %swap3A = arith.constant 0 : index
    %swap3A_115 = tpu.vector_load %arg11[%swap3A] {strides = array<i32>} : memref<16xf32, #tpu.memory_space<vmem>>, vector<16xf32>,
    %swap3A_116 = vector.shape_cast %swap3A_115 : vector<16xf32> to vector<16xf32>
    %swap3A_117 = vector.shape_cast %add3A_114 : vector<16xf32> to vector<16xf32>
    tpu.vector_store %arg11[%swap3A], %swap3A_117 {strides = array<i32>} : memref<16xf32, #tpu.memory_space<vmem>>, vector<16xf32>,
    "tpu.region"() ({
      %run_scoped3A = tpu.sem_alloc : memref<!tpu.dma_semaphore, #tpu.memory_space<semaphore_mem>>
      %dma_start3A_118 = arith.constant 0 : i32
      %dma_start3A_119 = tpu.memref_slice %arg6[%add3A, %dma_start3A_118] : memref<32x16xf32, #tpu.memory_space<hbm>> -> memref<1x16xf32, #tpu.memory_space<hbm>>
      %dma_start3A_120 = tpu.memref_squeeze %dma_start3A_119 : memref<1x16xf32, #tpu.memory_space<hbm>> -> memref<16xf32, #tpu.memory_space<hbm>>
      %dma_start3A_121 = arith.constant 0 : i32
      %dma_start3A_122 = tpu.memref_slice %arg6[%add3A, %dma_start3A_121] : memref<32x16xf32, #tpu.memory_space<hbm>> -> memref<1x16xf32, #tpu.memory_space<hbm>>
      %dma_start3A_123 = tpu.memref_squeeze %dma_start3A_122 : memref<1x16xf32, #tpu.memory_space<hbm>> -> memref<16xf32, #tpu.memory_space<hbm>>
      tpu.enqueue_dma source(%arg11 : memref<16xf32, #tpu.memory_space<vmem>>) target(%dma_start3A_123 : memref<16xf32, #tpu.memory_space<hbm>>) target_semaphore(%run_scoped3A : memref<!tpu.dma_semaphore, #tpu.memory_space<semaphore_mem>>)
      %dma_wait3A_124 = arith.constant 0 : i32
      %dma_wait3A_125 = tpu.memref_slice %arg6[%add3A, %dma_wait3A_124] : memref<32x16xf32, #tpu.memory_space<hbm>> -> memref<1x16xf32, #tpu.memory_space<hbm>>
      %dma_wait3A_126 = tpu.memref_squeeze %dma_wait3A_125 : memref<1x16xf32, #tpu.memory_space<hbm>> -> memref<16xf32, #tpu.memory_space<hbm>>
      %dma_wait3A_127 = arith.constant 0 : i32
      %dma_wait3A_128 = tpu.memref_slice %arg6[%add3A, %dma_wait3A_127] : memref<32x16xf32, #tpu.memory_space<hbm>> -> memref<1x16xf32, #tpu.memory_space<hbm>>
      %dma_wait3A_129 = tpu.memref_squeeze %dma_wait3A_128 : memref<1x16xf32, #tpu.memory_space<hbm>> -> memref<16xf32, #tpu.memory_space<hbm>>
      tpu.wait_dma2 semaphore(%run_scoped3A : memref<!tpu.dma_semaphore, #tpu.memory_space<semaphore_mem>>) src(%arg11 : memref<16xf32, #tpu.memory_space<vmem>>) dst(%dma_wait3A_129 : memref<16xf32, #tpu.memory_space<hbm>>)
      tpu.yield
    }) : () -> ()
    return
  }
}

</mosaic_0001>

<sc_bundles>
// kernel: kernel.3.cloned.1.call-start
scs
__scs_entry_jumppad:
0x0: {  	(pc) =	sbr.rel $0x88, $3  }
0x1: {  	(tag) =	ssettag $0x0;
	lr =	simm.s32 $0x1  }
0x2: {  	[smem:$0x3F9E] =	sst lr;
	_ =	strace $0xD0000000  }
0x3: {  	_ = 	snop  }
0x4: {  	_ = 	snop  }
0x5: {  	_ = 	snop  }
0x6: {  	_ = 	snop  }
0x7: {  	_ = 	snop  }
__scs_overlays_trampoline_lowered:
0x8: {  	[smem:$0x3FAD] =	sst s0  }
0x9: {  	[smem:$0x3FAE] =	sst s1  }
0xa: {  	[smem:$0x3FAF] =	sst s2  }
0xb: {  	[smem:$0x3FB0] =	sst s3  }
0xc: {  	[smem:$0x3FB1] =	sst s4  }
0xd: {  	[smem:$0x3FB2] =	sst s5  }
0xe: {  	[smem:$0x3FB3] =	sst s6  }
0xf: {  	[smem:$0x3FB4] =	sst s7  }
0x10: {  	[smem:$0x3FB5] =	sst s8  }
0x11: {  	[smem:$0x3FB6] =	sst s9;
	s0 =	simm.s32 @!p0 $0x0  }
0x12: {  	s1 =	sld [smem:$0x3F9C];
	s0 =	simm.s32 @p0 $0x1  }
0x13: {  	[smem:$0x3FB7] =	sst s0;
	s0 =	simm.s32 @!p1 $0x0  }
0x14: {  	s2 =	sld [smem:$0x3F9B];
	s0 =	simm.s32 @p1 $0x1  }
0x15: {  	[smem:$0x3FB8] =	sst s0;
	s0 =	simm.s32 @!p2 $0x0  }
0x16: {  	s3 =	sld [smem:$0x3FDB];
	s0 =	simm.s32 @p2 $0x1  }
0x17: {  	s4 =	simm.s32 $0x1BF5;
	[smem:$0x3FBA] =	sst s0  }
0x18: {  	s0 =	sld [smem:$0x3F9D];
	_ =	swait.ge [sflag:s4], $0x0  }
0x19: {  	s7 =	sld [smem:$0x3F9E]  }
0x1a: {  	s8 =	sadd.s32 $0xFFFFE003, lr  }
0x1b: {  	s9 =	sadd.s32 $0xFFFFFEF7, lr;
	s5 =	simm.s32 $0xFFFFFFFF;
	p2 =	slt.u32 s8, $0xFFFFF086  }
0x1c: {  	p1 =	slt.u32 s9, $0xF7A;
	s5 =	simm.s32 @!p2 $0x0  }
0x1d: {  	s5 =	simm.s32 @p1 $0x1;
	p0 =	seq.s32 s7, s2  }
0x1e: {  	s7 =	smul.u32 @!p0 $0xF7A, s2;
	p2 =	seq.s32 @!p0 s5, $0x0  }
0x1f: {  	s9 =	smul.u32 $0xF7A, s1;
	s8 =	simm.s32 @!p0 $0x1BF5;
	p2 =	por !p2, p0  }
0x20: {  	[sflag:s8] =	ssyncset.s32 @!p0 $0xFFFFF086;
	s6 =	sadd.s32 @!p0 s3, s7;
	s7 =	simm.s32 @!p0 $0x108  }
0x21: {  	s3 =	sadd.s32 s3, s9;
	s6 =	sadd.s32 @!p0 $0x88, s6;
	s7 =	simm.s32 @p2 $0x1082  }
0x22: {  	[simem:s7], [sflag:s8] =	dma.local @!p0 [hbm:s6], $0xF7A  }
0x23: {  	s9 =	sor.u32 $0xD0000000, s2;
	s6 =	simm.s32 $0x108;
	_ =	swait.ge @!p0 [sflag:s8], $0x0  }
0x24: {  	s3 =	sadd.s32 $0x88, s3;
	s6 =	simm.s32 @!p1 $0x1082;
	[sflag:s4] =	ssyncset.s32 $0xFFFFF086  }
0x25: {  	[simem:s6], [sflag:s4] =	dma.local [hbm:s3], $0xF7A  }
0x26: {  	[smem:$0x3F9E] =	sst s1;
	(tag) =	ssettag s2;
	_ =	strace s9  }
0x27: {  	s1 =	sld [smem:$0x3FAE]  }
0x28: {  	s2 =	sld [smem:$0x3FAF]  }
0x29: {  	s4 =	sld [smem:$0x3FB1]  }
0x2a: {  	p0 =	seq.s32 s5, $0x0;
	s5 =	sld [smem:$0x3FB2]  }
0x2b: {  	s6 =	sld [smem:$0x3FB3]  }
0x2c: {  	s7 =	sld [smem:$0x3FB4]  }
0x2d: {  	s3 =	simm.s32 $0x108;
	s8 =	sld [smem:$0x3FB5]  }
0x2e: {  	s3 =	simm.s32 @!p0 $0x1082;
	s9 =	sld [smem:$0x3FB6]  }
0x2f: {  	lr =	sadd.s32 s0, s3;
	s0 =	sld [smem:$0x3FAD]  }
0x30: {  	s3 =	sld [smem:$0x3FB0]  }
0x31: {  	[smem:$0x3FB9] =	sst s10  }
0x32: {  	s10 =	sld [smem:$0x3FB7];
	_ =	sdelay $0x3  }
0x33: {  	p0 =	seq.s32 s10, $0x1;
	s10 =	sld [smem:$0x3FB9];
	_ =	sdelay $0x3  }
0x34: {  	[smem:$0x3FB9] =	sst s10  }
0x35: {  	s10 =	sld [smem:$0x3FB8];
	_ =	sdelay $0x3  }
0x36: {  	p1 =	seq.s32 s10, $0x1;
	s10 =	sld [smem:$0x3FB9];
	_ =	sdelay $0x3  }
0x37: {  	[smem:$0x3FB9] =	sst s10  }
0x38: {  	s10 =	sld [smem:$0x3FBA]  }
0x39: {  	_ = 	snop;
	(pc) =	sbr.ind lr, $3  }
0x3a: {  	_ = 	snop  }
0x3b: {  	_ = 	snop  }
0x3c: {  	p2 =	seq.s32 s10, $0x1;
	s10 =	sld [smem:$0x3FB9]  }
0x3d: {  	_ =	shalt  }
0x3e: {  	_ =	shalt  }
0x3f: {  	_ =	shalt  }
0x40: {  	_ =	shalt  }
0x41: {  	_ =	shalt  }
0x42: {  	_ =	shalt  }
0x43: {  	_ =	shalt  }
0x44: {  	_ =	shalt  }
0x45: {  	_ =	shalt  }
0x46: {  	_ =	shalt  }
0x47: {  	_ =	shalt  }
0x48: {  	_ =	shalt  }
0x49: {  	_ =	shalt  }
0x4a: {  	_ =	shalt  }
0x4b: {  	_ =	shalt  }
0x4c: {  	_ =	shalt  }
0x4d: {  	_ =	shalt  }
0x4e: {  	_ =	shalt  }
0x4f: {  	_ =	shalt  }
0x50: {  	_ =	shalt  }
0x51: {  	_ =	shalt  }
0x52: {  	_ =	shalt  }
0x53: {  	_ =	shalt  }
0x54: {  	_ =	shalt  }
0x55: {  	_ =	shalt  }
0x56: {  	_ =	shalt  }
0x57: {  	_ =	shalt  }
0x58: {  	_ =	shalt  }
0x59: {  	_ =	shalt  }
0x5a: {  	_ =	shalt  }
0x5b: {  	_ =	shalt  }
0x5c: {  	_ =	shalt  }
0x5d: {  	_ =	shalt  }
0x5e: {  	_ =	shalt  }
0x5f: {  	_ =	shalt  }
0x60: {  	_ =	shalt  }
0x61: {  	_ =	shalt  }
0x62: {  	_ =	shalt  }
0x63: {  	_ =	shalt  }
0x64: {  	_ =	shalt  }
0x65: {  	_ =	shalt  }
0x66: {  	_ =	shalt  }
0x67: {  	_ =	shalt  }
0x68: {  	_ =	shalt  }
0x69: {  	_ =	shalt  }
0x6a: {  	_ =	shalt  }
0x6b: {  	_ =	shalt  }
0x6c: {  	_ =	shalt  }
0x6d: {  	_ =	shalt  }
0x6e: {  	_ =	shalt  }
0x6f: {  	_ =	shalt  }
0x70: {  	_ =	shalt  }
0x71: {  	_ =	shalt  }
0x72: {  	_ =	shalt  }
0x73: {  	_ =	shalt  }
0x74: {  	_ =	shalt  }
0x75: {  	_ =	shalt  }
0x76: {  	_ =	shalt  }
0x77: {  	_ =	shalt  }
0x78: {  	_ =	shalt  }
0x79: {  	_ =	shalt  }
0x7a: {  	_ =	shalt  }
0x7b: {  	_ =	shalt  }
0x7c: {  	_ =	shalt  }
0x7d: {  	_ =	shalt  }
0x7e: {  	_ =	shalt  }
0x7f: {  	_ =	shalt  }
0x80: {  	_ =	shalt  }
0x81: {  	_ =	shalt  }
0x82: {  	_ =	shalt  }
0x83: {  	_ =	shalt  }
0x84: {  	_ =	shalt  }
0x85: {  	_ =	shalt  }
0x86: {  	_ =	shalt  }
0x87: {  	_ =	shalt  }
.Lfunc_end0:
.L_simem_size_0:
called_computation_lowered:
.L_overlay_start_0:
0x88: {  	s2 =	sld [smem:$0x3FD9]  }
0x89: {  	s3 =	sld [smem:$0x3FFE];
	_ =	sdelay $0x1  }
0x8a: {  	s1 =	srdreg.scid  }
0x8b: {  	s0 =	sand.u32 $0x1, s1  }
0x8c: {  	s17 =	sshll.u32 s0, $0xA;
	s2 =	sadd.s32 s3, s2  }
0x8d: {  	s2 =	sadd.s32 s2, s17  }
0x8e: {  	[smem:$0x3FC5] =	sst s2  }
0x8f: {  	_ = 	snop  }
0x90: {  	s2 =	sld [smem:$0x3FC9]  }
0x91: {  	s18 =	sld [smem:$0x3FC7];
	(tm) =	ssettm $0x1  }
0x92: {  	s4 =	sld [smem:$0x3FFB];
	_ =	sdelay $0x3  }
0x93: {  	_ =	strace s4  }
0x94: {  	s4 =	sld [smem:$0x3FFC];
	_ =	sdelay $0x3  }
0x95: {  	_ =	strace s4  }
0x96: {  	s4 =	sld [smem:$0x3FFD];
	_ =	sdelay $0x3  }
0x97: {  	_ =	strace s4  }
0x98: {  	_ =	strace $0x8FFFFFFF  }
0x99: {  	s19 =	sld [smem:$0x3FDB];
	_ =	sdelay $0x1  }
0x9a: {  	s5 =	simm.s32 $_scs_section_size  }
0x9b: {  	s6 =	simm.s32 $_size__tile_overlayer_lowered;
	s7 =	simm.s32 $_tile_overlayer_lowered  }
0x9c: {  	s22 =	simm.s32 $0x1BFF;
	s21 =	sshll.u32 s7, $0x1;
	s4 =	sadd.s32 s5, s19  }
0x9d: {  	s8 =	simm.s32 $0x0;
	s20 =	sshll.u32 s6, $0x1;
	s6 =	sadd.s32 s21, s4  }
0x9e: {  	[timem:s8], [sflag:s22] =	dma.local [hbm:s6], s20  }
0x9f: {  	_ =	swait.ge [sflag:s22], s20  }
0xa0: {  	s5 =	ssub.s32 $0x0, s20;
	[sflag:s22] =	ssyncset.done $0x0  }
0xa1: {  	[sflag:s22] =	ssyncadd.s32 s5;
	_ =	sdelay $0x1  }
0xa2: {  	s23 =	simm.s32 $0x1B8B  }
0xa3: {  	_ =	swait.ge [sflag:s23], $0x1  }
0xa4: {  	[sflag:s23] =	ssyncset.done $0x0  }
0xa5: {  	s25 =	simm.s32 $0x1B8E;
	s24 =	sld [smem:$0x3FFE];
	[sflag:s23] =	ssyncadd.s32 $0xFFFFFFFF  }
0xa6: {  	s26 =	simm.s32 $execute0_lowered;
	[smem:$0x3FD2] =	sst s25  }
0xa7: {  	s6 =	sshll.u32 s26, $0x1;
	_ =	strace $0x80000046;
	[dreg:$0x1] =	wrdreg $0xFFFFFFFF  }
0xa8: {  	s28 =	simm.s32 $_size_execute0_lowered;
	s4 =	sadd.s32 s4, s6;
	[dreg:$0x0] =	wrdreg $0x0  }
0xa9: {  	s6 =	sshll.u32 s28, $0x1;
	[dreg:$0x2] =	wrdreg s4  }
0xaa: {  	[dreg:$0x3] =	wrdreg s6  }
0xab: {  	[dreg:$0x4] =	wrdreg $0xC0  }
0xac: {  	_ =	task [dreg:s8], $0x5FFFF  }
0xad: {  	[dreg:$0x1] =	wrdreg $0xFFFFFFFF  }
0xae: {  	[dreg:$0x0] =	wrdreg $0x60  }
0xaf: {  	[dreg:$0x2] =	wrdreg s2  }
0xb0: {  	[dreg:$0x3] =	wrdreg s24  }
0xb1: {  	[dreg:$0x4] =	wrdreg s18  }
0xb2: {  	[dreg:$0x5] =	wrdreg $0x9  }
0xb3: {  	_ =	task.clear_ibuf [dreg:s8], $0x6FFFF;
	_ =	strace $0x90000046  }
0xb4: {  	s29 =	simm.s32 $0x9;
	_ =	strace $0x80000048  }
0xb5: {  	_ =	swait.ge [sflag:s29], $0x1  }
0xb6: {  	[sflag:s29] =	ssyncadd.s32 $0xFFFFFFFF  }
0xb7: {  	_ =	strace $0x90000048  }
0xb8: {  	_ =	sfence  }
0xb9: {  	s30 =	sld [smem:$0x0];
	_ =	sdelay $0x2  }
0xba: {  	s31 =	sshll.u32 s1, $0xD;
	s1 =	sshrl.u32 s1, $0x2  }
0xbb: {  	s3 =	sand.u32 $0x4000, s31;
	s1 =	sadd.s32 s1, s30  }
0xbc: {  	s0 =	sor.u32 s3, s0;
	s1 =	sshll.u32 s1, $0x11  }
0xbd: {  	s0 =	sor.u32 s1, s0  }
0xbe: {  	s0 =	sadd.s32 $0x8F2B, s0  }
0xbf: {  	[sflag:s0] =	ssyncadd.remote.s32 $0x1  }
0xc0: {  	_ =	sfence.sel $0xFFFF  }
0xc1: {  	[dreg:$0x0] =	wrdreg $0xFFFFFFFF;
	(pc) =	sbr.abs _section_cstart, $3  }
0xc2: {  	[dreg:$0x1] =	wrdreg $0xFFFFFFFF  }
0xc3: {  	_ =	task.clear_ibuf [dreg:s8], $0x2FFFF;
	_ =	strace $0x9FFFFFFF  }
0xc4: {  	(tm) =	ssettm $0x7FFFFFFF  }
0xc5: {  	_ =	shalt  }
tec
execute0_lowered:
.L_overlay_start_1:
0x0: {  	(tag) =	ssettag $0x1  }
0x1: {  	v0 =	vimm.s32 $0xFEDCBA98;
	s3 =	rddreg [dreg:$0x0]  }
0x2: {  	v1 =	vimm.s32 $0x76543210;
	s4 =	rddreg [dreg:$0x1];
	v2 =	vimm.s32 $0xBA98FEDC;
	v3 =	vimm.s32 $0x32107654  }
0x3: {  	s6 =	rddreg [dreg:$0x2];
	s0 =	simm.s32 $0x0;
	s2 =	srdreg.scid;
	v4 =	vimm.s32 $0xDCFE98BA;
	v5 =	vimm.s32 $0x54761032;
	v6 =	vimm.s32 $0xEFCDAB89  }
0x4: {  	s1 =	stileid.u32;
	v7 =	vimm.s32 $0x67452301;
	s11 =	simm.s32 $0xC00;
	s12 =	simm.s32 $0x1;
	vm0 =	vmmov $0x1;
	vm1 =	vcmask $0x308  }
0x5: {  	s13 =	simm.s32 $0x2;
	s14 =	simm.s32 $0x3;
	s15 =	simm.s32 $0x4;
	v0 =	vunpack.c.l.s4.s8 v0;
	v1 =	vunpack.c.l.s4.s8 v1;
	v2 =	vunpack.c.l.s4.s8 v2  }
0x6: {  	s16 =	simm.s32 $0x1000;
	s17 =	simm.s32 $0x5;
	[smem:$0x7FF] =	sst s0;
	v3 =	vunpack.c.l.s4.s8 v3;
	v4 =	vunpack.c.l.s4.s8 v4;
	v5 =	vunpack.c.l.s4.s8 v5  }
0x7: {  	s18 =	simm.s32 $0x0;
	s5 =	sand.u32 $0x1, s2;
	s2 =	rddreg [dreg:$0x3];
	v6 =	vunpack.c.l.s4.s8 v6;
	v7 =	vunpack.c.l.s4.s8 v7;
	v0 =	vunpack.c.0.s8.s32 v0  }
0x8: {  	s7 =	sshll.u32 s1, $0x8;
	s8 =	sshll.u32 s5, $0x7;
	s5 =	ssub.s32 $0x2, s5;
	v2 =	vunpack.c.0.s8.s32 v2;
	v3 =	vunpack.c.0.s8.s32 v3;
	v4 =	vunpack.c.0.s8.s32 v4  }
0x9: {  	_ =	strace $0x80000047;
	s7 =	sor.u32 s8, s7;
	s10 =	sshrl.u32 s5, $0x1;
	v5 =	vunpack.c.0.s8.s32 v5;
	v6 =	vunpack.c.0.s8.s32 v6;
	v7 =	vunpack.c.0.s8.s32 v7  }
0xa: {  	vm2 =	vcmask $0x70C;
	s8 =	sadd.s32 s7, s4;
	s9 =	sshrl.u32 s7, $0x3;
	s10 =	ssub.s32 s5, s10;
	v3 =	vcombine.low v3, v2;
	v2 =	vunpack.c.0.s8.s32 v1  }
0xb: {  	s3 =	sadd.s32 s3, s7;
	s6 =	sadd.s32 s6, s7;
	s9 =	sadd.s32 s9, s4;
	v8 =	vand.u32 $0xF, v0;
	v4 =	vcombine.low v5, v4;
	v5 =	vcombine.low v7, v6  }
0xc: {  	s4 =	sadd.s32 $0x1400, s8;
	s5 =	sadd.s32 $0x400, s8;
	s8 =	smax.u32 s10, $0x1;
	v0 =	vimm.f32 $0.0e+00;
	v1 =	vimm.s32 $0xFFFFFF81;
	v2 =	vcombine.low v8, v2  }
0xd: {  	s10 =	simm.s32 $0x800;
	s7 =	sadd.s32 $0x2400, s9;
	s9 =	simm.s32 $0x400;
	v3 =	vand.u32 $0xF, v3;
	v4 =	vand.u32 $0xF, v4;
	v5 =	vand.u32 $0xF, v5  }
.LBB2_1:
0xe: {  	[tilespmem:s0], [sflag:$0x1] =	stream.linear.gather [hbm4b:s3+s0], $0x400, $0x38;
	[tilespmem:$0x1080] =	vst v63  }
0xf: {  	_ = 	snop  }
0x10: {  	[tilespmem:s9], [sflag:$0x2] =	stream.linear.gather [hbm4b:s4+s0], $0x400, $0x38;
	[tilespmem:$0x1080] =	vst v63  }
0x11: {  	_ = 	snop  }
0x12: {  	[tilespmem:s10], [sflag:$0x3] =	stream.linear.gather [hbm4b:s5+s0], $0x400, $0x38;
	[tilespmem:$0x1080] =	vst v63  }
0x13: {  	_ = 	snop  }
0x14: {  	[tilespmem:s11], [sflag:$0x4] =	stream.linear.gather [hbm4b:s6+s0], $0x400, $0x38;
	[tilespmem:$0x1080] =	vst v63  }
0x15: {  	_ =	swait.ge [sflag:s12], $0x400  }
0x16: {  	[sflag:s12] =	ssyncset.done $0x0  }
0x17: {  	[sflag:s12] =	ssyncadd.s32 $0xFFFFFC00  }
0x18: {  	_ =	swait.ge [sflag:s13], $0x400  }
0x19: {  	[sflag:s13] =	ssyncset.done $0x0  }
0x1a: {  	[sflag:s13] =	ssyncadd.s32 $0xFFFFFC00  }
0x1b: {  	_ =	swait.ge [sflag:s14], $0x400  }
0x1c: {  	[sflag:s14] =	ssyncset.done $0x0  }
0x1d: {  	[sflag:s14] =	ssyncadd.s32 $0xFFFFFC00  }
0x1e: {  	_ =	swait.ge [sflag:s15], $0x400  }
0x1f: {  	[sflag:s15] =	ssyncset.done $0x0  }
0x20: {  	s19 =	simm.s32 $0x0;
	[sflag:s15] =	ssyncadd.s32 $0xFFFFFC00  }
0x21: {  	v15 =	vld [tilespmem:s19+$0x400];
	_ =	sdelay $0x1  }
0x22: {  	v7 =	vld [tilespmem:s19+$0x800];
	_ =	sdelay $0x2  }
0x23: {  	v6 =	vand.u32 $0x7FFFFFFF, v15  }
0x24: {  	v6 =	vsub.f32 $0.0e+00, v6  }
0x25: {  	v8 =	vsub.f32 v15, v7  }
0x26: {  	v6 =	vmul.f32 $1.442695020e+00, v6  }
0x27: {  	v9 =	vld [tilespmem:s19+$0xC00];
	v8 =	vmul.f32 $1.442695020e+00, v8  }
0x28: {  	(erf) = vpow2.f32 v6  }
0x29: {  	(erf) = vpow2.f32 v8;
	_ =	sdelay $0x1  }
0x2a: {  	v6 =	vand.u32 $0x7FFFFFFF, v7  }
0x2b: {  	v6 =	vsub.f32 $0.0e+00, v6;
	v8 =	vcvt.s32.f32 v9;
	_ =	sdelay $0x1  }
0x2c: {  	v6 =	vmul.f32 $1.442695020e+00, v6;
	v8 =	vmul.f32 $1.562500000e-02, v8;
	_ =	sdelay $0x1  }
0x2d: {  	(erf) = vpow2.f32 v6;
	v6 =	vsub.f32 $1.000000000e+00, v8  }
0x2e: {  	v18 =	vpop (erf)  }
0x2f: {  	v20 =	vadd.f32 $1.562500000e-02, v6;
	v8 =	vpop (erf)  }
0x30: {  	v8 =	vadd.f32 $1.000000000e+00, v8  }
0x31: {  	(erf) = vrcp.f32 v20  }
0x32: {  	(erf) = vrcp.f32 v8;
	_ =	sdelay $0x2  }
0x33: {  	v8 =	vmul.f32 $3.752624150e-03, v18  }
0x34: {  	v17 =	vpop (erf)  }
0x35: {  	v21 =	vld [tilespmem:s19+$0x0];
	v8 =	vadd.f32 $-2.303827930e-02, v8;
	v10 =	vmul.f32 $3.752624150e-03, v17;
	_ =	sdelay $0x1  }
0x36: {  	v8 =	vmul.f32 v8, v18;
	v10 =	vadd.f32 $-2.303827930e-02, v10  }
0x37: {  	v11 =	vpop (erf)  }
0x38: {  	v8 =	vadd.f32 $6.651248040e-02, v8;
	v10 =	vmul.f32 v10, v17;
	v25 =	vpop (erf)  }
0x39: {  	v11 =	vmul.f32 v11, v6;
	v6 =	vmul.f32 v6, v21;
	v26 =	vsub.f32 $1.000000000e+00, v25  }
0x3a: {  	v8 =	vmul.f32 v8, v18;
	v10 =	vadd.f32 $6.651248040e-02, v10  }
0x3b: {  	v24 =	vsub.f32 $1.000000000e+00, v20;
	v22 =	vmul.f32 v11, v6;
	v6 =	vmul.f32 v26, v20  }
0x3c: {  	v8 =	vadd.f32 $-1.252666120e-01, v8;
	v10 =	vmul.f32 v10, v17  }
0x3d: {  	v11 =	vmul.f32 v20, v25;
	v23 =	vsub.f32 $1.000000000e+00, v22;
	v6 =	vadd.f32 v6, v24  }
0x3e: {  	v8 =	vmul.f32 v8, v18  }
0x3f: {  	v10 =	vadd.f32 $-1.252666120e-01, v10;
	v27 =	vmul.f32 v22, v11;
	v28 =	vmul.f32 v23, v6;
	_ =	sdelay $0x1  }
0x40: {  	s20 =	simm.s32 $0x10;
	v6 =	vadd.f32 $1.846884790e-01, v8;
	v8 =	vmul.f32 v10, v17;
	v10 =	vadd.f32 v28, v27  }
0x41: {  	v14 =	vld [tilespmem:s20+$0x400]  }
0x42: {  	v6 =	vmul.f32 v6, v18;
	v8 =	vadd.f32 $1.846884790e-01, v8;
	v10 =	vadd.f32 $9.999999970e-07, v10;
	_ =	sdelay $0x1  }
0x43: {  	v6 =	vadd.f32 $-2.463566060e-01, v6;
	v8 =	vmul.f32 v8, v17;
	(erf) = vrcp.f32 v10  }
0x44: {  	v12 =	vmul.f32 v7, v21  }
0x45: {  	v16 =	vand.u32 $0x7FFFFFFF, v14;
	v10 =	vmul.f32 v6, v18;
	v8 =	vadd.f32 $-2.463566060e-01, v8;
	v6 =	vld [tilespmem:s20+$0x800]  }
0x46: {  	vm3 =	vgt.f32 v7, v15;
	v13 =	vmax.f32 v15, $0.0e+00;
	v16 =	vsub.f32 $0.0e+00, v16  }
0x47: {  	v11 =	vmax.f32 v7, $0.0e+00;
	v7 =	vadd.f32 $3.328184190e-01, v10;
	v8 =	vmul.f32 v8, v17  }
0x48: {  	v12 =	vsub.f32 v11, v12;
	v11 =	vmax.f32 v14, $0.0e+00;
	v10 =	vsel vm3, $0x3F800000, v0  }
0x49: {  	vm3 =	veq.f32 v10, v21;
	v10 =	vmul.f32 v7, v18;
	v8 =	vadd.f32 $3.328184190e-01, v8  }
0x4a: {  	v7 =	vsel vm3, $0x3F800000, v0;
	v30 =	vsub.f32 v14, v6;
	v19 =	vand.u32 $0x7FFFFFFF, v6  }
0x4b: {  	vm3 =	veq.s32 v9, $0x1;
	v32 =	vsub.f32 $0.0e+00, v19;
	v8 =	vmul.f32 v8, v17;
	v19 =	vld [tilespmem:s20+$0xC00]  }
0x4c: {  	v29 =	vadd.f32 $-4.999622400e-01, v10;
	v10 =	vmul.f32 $1.442695020e+00, v30;
	v30 =	vmul.f32 $1.442695020e+00, v16;
	v31 =	vpop (erf)  }
0x4d: {  	v16 =	vmax.f32 v6, $0.0e+00;
	v28 =	vmul.f32 v31, v28;
	v27 =	vmul.f32 v31, v27  }
0x4e: {  	(erf) = vpow2.f32 v30;
	v31 =	vadd.f32 $-4.999622400e-01, v8;
	v8 =	vmul.f32 $1.442695020e+00, v32  }
0x4f: {  	(erf) = vpow2.f32 v10;
	v9 =	vsel vm3, v26, v28;
	v10 =	vsel vm3, v25, v27  }
0x50: {  	(erf) = vpow2.f32 v8;
	v27 =	vcvt.s32.f32 v19;
	v8 =	vmax.f32 v9, $9.999999970e-07  }
0x51: {  	v9 =	vmax.f32 v10, $9.999999970e-07;
	v10 =	vimm.f32 $0.0e+00;
	v26 =	vmin.f32 v8, $9.999989860e-01  }
0x52: {  	s19 =	simm.s32 $0x80;
	v25 =	vmin.f32 v9, $9.999989860e-01;
	v8 =	vimm.f32 $0.0e+00;
	v9 =	vimm.f32 $0.0e+00  }
.LBB2_2:
0x53: {  	p0 =	sne.s32 s19, $0xFC0;
	v28 =	vand.u32 $0x7FFFFF, v26;
	v30 =	vand.u32 $0x7FFFFF, v25;
	v29 =	vmul.f32 v29, v18  }
0x54: {  	v27 =	vmul.f32 $1.562500000e-02, v27;
	v28 =	vor.u32 $0x3F800000, v28;
	v30 =	vor.u32 $0x3F800000, v30  }
0x55: {  	v36 =	vmul.f32 $5.000000000e-01, v28;
	v33 =	vmul.f32 $5.000000000e-01, v30;
	v34 =	vadd.f32 $9.999989270e-01, v29  }
0x56: {  	v35 =	vsub.f32 $1.000000000e+00, v21;
	vm4 =	vgt.f32 v28, $1.414213540e+00;
	vm3 =	vgt.f32 v30, $1.414213540e+00  }
0x57: {  	v27 =	vsub.f32 $1.000000000e+00, v27;
	v28 =	vsel vm4, v36, v28;
	v30 =	vsel vm3, v33, v30  }
0x58: {  	v32 =	vpop (erf);
	v29 =	vadd.f32 $-1.000000000e+00, v28;
	v30 =	vadd.f32 $-1.000000000e+00, v30;
	v28 =	vmul.f32 v31, v17  }
0x59: {  	v37 =	vmul.f32 v20, v35;
	v31 =	vadd.f32 $1.562500000e-02, v27;
	v33 =	vmul.f32 $3.752624150e-03, v32;
	v36 =	vpop (erf)  }
0x5a: {  	v36 =	vadd.f32 $1.000000000e+00, v36;
	v38 =	vpop (erf);
	v39 =	vmul.f32 $9.842353310e-02, v29;
	v40 =	vmul.f32 $9.842353310e-02, v30  }
0x5b: {  	v21 =	vmul.f32 v20, v21;
	v24 =	vadd.f32 v24, v37;
	v20 =	vmovc v31;
	(erf) = vrcp.f32 v31  }
0x5c: {  	(erf) = vrcp.f32 v36;
	v31 =	vsub.f32 $1.636587980e-01, v39;
	v36 =	vsub.f32 $1.636587980e-01, v40  }
0x5d: {  	v37 =	vmul.f32 v23, v24;
	v33 =	vadd.f32 $-2.303827930e-02, v33;
	v39 =	vmul.f32 v22, v21  }
0x5e: {  	v24 =	vadd.f32 $9.999989270e-01, v28;
	v22 =	vmul.f32 v31, v29;
	v23 =	vmul.f32 v36, v30  }
0x5f: {  	v28 =	vmul.f32 v33, v32;
	v31 =	vmul.f32 $3.752624150e-03, v38;
	v33 =	vadd.f32 v37, v39  }
0x60: {  	v34 =	vmul.f32 v34, v18;
	v18 =	vmovc v32;
	v21 =	vld [tilespmem:s20+$0x0];
	v22 =	vadd.f32 $-1.740591230e-01, v22;
	v23 =	vadd.f32 $-1.740591230e-01, v23  }
0x61: {  	v31 =	vadd.f32 $-2.303827930e-02, v31;
	v36 =	vadd.f32 $9.999999970e-07, v33;
	v33 =	vmul.f32 v24, v17;
	v17 =	vmovc v38  }
0x62: {  	v24 =	vadd.f32 $6.651248040e-02, v28;
	v22 =	vmul.f32 v22, v29;
	v23 =	vmul.f32 v23, v30  }
0x63: {  	v28 =	vmul.f32 v31, v17;
	v31 =	vadd.f32 $5.239403130e-09, v34;
	(erf) = vrcp.f32 v36  }
0x64: {  	v24 =	vmul.f32 v24, v18;
	v32 =	vpop (erf);
	v22 =	vadd.f32 $1.988280270e-01, v22;
	v23 =	vadd.f32 $1.988280270e-01, v23  }
0x65: {  	v36 =	vadd.f32 $6.651248040e-02, v28;
	v32 =	vmul.f32 v32, v27;
	v34 =	vmul.f32 v27, v21;
	v27 =	vpop (erf)  }
0x66: {  	v38 =	vadd.f32 $-1.252666120e-01, v24;
	v24 =	vmul.f32 v22, v29;
	v23 =	vmul.f32 v23, v30  }
0x67: {  	v35 =	vmul.f32 v35, v15;
	v15 =	vmovc v14;
	v28 =	vsub.f32 $1.000000000e+00, v27;
	v36 =	vmul.f32 v36, v17  }
0x68: {  	v22 =	vmul.f32 v32, v34;
	v14 =	vadd.f32 $-2.495212850e-01, v24;
	v23 =	vadd.f32 $-2.495212850e-01, v23  }
0x69: {  	v34 =	vmul.f32 v20, v27;
	v32 =	vmul.f32 v28, v20;
	v24 =	vsub.f32 $1.000000000e+00, v20  }
0x6a: {  	v36 =	vadd.f32 $-1.252666120e-01, v36;
	v14 =	vmul.f32 v14, v29;
	v40 =	vmul.f32 v23, v30  }
0x6b: {  	v38 =	vmul.f32 v38, v18;
	v23 =	vsub.f32 $1.000000000e+00, v22;
	v32 =	vadd.f32 v32, v24  }
0x6c: {  	v34 =	vmul.f32 v22, v34;
	v14 =	vadd.f32 $3.333570960e-01, v14;
	v40 =	vadd.f32 $3.333570960e-01, v40;
	v41 =	vpop (erf)  }
0x6d: {  	v38 =	vadd.f32 $1.846884790e-01, v38;
	v32 =	vmul.f32 v23, v32;
	v39 =	vmul.f32 v41, v39  }
0x6e: {  	v33 =	vadd.f32 $5.239403130e-09, v33;
	v14 =	vmul.f32 v14, v29;
	v40 =	vmul.f32 v40, v30  }
0x6f: {  	v37 =	vmul.f32 v41, v37;
	v42 =	vadd.f32 v32, v34;
	v39 =	vmax.f32 v39, $0.0e+00  }
0x70: {  	v26 =	vshrl.u32 v26, $0x17;
	v14 =	vadd.f32 $-5.000094770e-01, v14;
	v40 =	vadd.f32 $-5.000094770e-01, v40  }
0x71: {  	v25 =	vshrl.u32 v25, $0x17;
	v26 =	vand.u32 $0xFF, v26;
	v37 =	vmax.f32 v37, $0.0e+00  }
0x72: {  	v41 =	vsel vm4, $0xFFFFFF82, v1;
	v14 =	vmul.f32 v14, v29;
	v40 =	vmul.f32 v40, v30  }
0x73: {  	v25 =	vand.u32 $0xFF, v25;
	v26 =	vadd.s32 v26, v41;
	v41 =	vsel vm3, $0xFFFFFF82, v1  }
0x74: {  	v25 =	vadd.s32 v25, v41;
	v14 =	vadd.f32 $9.999998800e-01, v14;
	v40 =	vadd.f32 $9.999998800e-01, v40  }
0x75: {  	v26 =	vcvt.s32.f32 v26;
	v39 =	vmin.f32 v39, $1.000000000e+00;
	v25 =	vcvt.s32.f32 v25  }
0x76: {  	v37 =	vmin.f32 v37, $1.000000000e+00;
	v14 =	vmul.f32 v14, v29;
	v29 =	vmul.f32 v40, v30  }
0x77: {  	v26 =	vmul.f32 $6.931471820e-01, v26;
	v30 =	vadd.f32 $1.000000000e+00, v37;
	v37 =	vsub.f32 $1.000000000e+00, v37  }
0x78: {  	v25 =	vmul.f32 $6.931471820e-01, v25;
	v14 =	vadd.f32 $2.861100510e-08, v14;
	v29 =	vadd.f32 $2.861100510e-08, v29  }
0x79: {  	v36 =	vmul.f32 v36, v17;
	v30 =	vsub.f32 v30, v39;
	v37 =	vadd.f32 v37, v39  }
0x7a: {  	v38 =	vmul.f32 v38, v18;
	v14 =	vadd.f32 v14, v26;
	v25 =	vadd.f32 v29, v25  }
0x7b: {  	v35 =	vsub.f32 v13, v35;
	v13 =	vmovc v11;
	v26 =	vmul.f32 v6, v21;
	v29 =	vadd.f32 $1.846884790e-01, v36  }
0x7c: {  	v11 =	vadd.f32 $9.999999970e-07, v42;
	v14 =	vmul.f32 v14, v30;
	v25 =	vmul.f32 v25, v37  }
0x7d: {  	v30 =	vadd.f32 $-2.463566060e-01, v38;
	v16 =	vsub.f32 v16, v26;
	v26 =	vmul.f32 v29, v17  }
0x7e: {  	s20 =	sshra.s32 s19, $0x2;
	(erf) = vrcp.f32 v11;
	v11 =	vadd.f32 v25, v14;
	v25 =	vadd.f32 v31, v35  }
0x7f: {  	v29 =	vmul.f32 v30, v18;
	v26 =	vadd.f32 $-2.463566060e-01, v26;
	v30 =	vadd.f32 v33, v12;
	v12 =	vmovc v16;
	v14 =	vld [tilespmem:s20+$0x400]  }
0x80: {  	v8 =	vadd.f32 v7, v8;
	vm3 =	vgt.f32 v6, v15;
	v6 =	vld [tilespmem:s20+$0x800];
	v11 =	vsub.f32 $0.0e+00, v11  }
0x81: {  	v7 =	vadd.f32 $3.328184190e-01, v29;
	v16 =	vmul.f32 v26, v17;
	v26 =	vsel vm3, $0x3F800000, v0  }
0x82: {  	v25 =	vadd.f32 v30, v25;
	vm3 =	veq.f32 v26, v21;
	v9 =	vadd.f32 v11, v9  }
0x83: {  	v26 =	vmul.f32 v7, v18;
	v16 =	vadd.f32 $3.328184190e-01, v16;
	v7 =	vsel vm3, $0x3F800000, v0  }
0x84: {  	v10 =	vadd.f32 v25, v10;
	v11 =	vmax.f32 v14, $0.0e+00;
	v29 =	vand.u32 $0x7FFFFFFF, v14  }
0x85: {  	v25 =	vsub.f32 v14, v6;
	v30 =	vsub.f32 $0.0e+00, v29;
	v29 =	vand.u32 $0x7FFFFFFF, v6  }
0x86: {  	v33 =	vsub.f32 $0.0e+00, v29;
	v29 =	vadd.f32 $-4.999622400e-01, v26;
	v26 =	vmul.f32 v16, v17  }
0x87: {  	v16 =	vmax.f32 v6, $0.0e+00;
	v35 =	vld [tilespmem:s20+$0xC00];
	v25 =	vmul.f32 $1.442695020e+00, v25;
	v30 =	vmul.f32 $1.442695020e+00, v30;
	v31 =	vpop (erf)  }
.Ltmp0:
0x88: {  	v32 =	vmul.f32 v31, v32;
	v34 =	vmul.f32 v31, v34;
	v31 =	vadd.f32 $-4.999622400e-01, v26;
	(pc) =	sbr.rel @p0 .LBB2_2-.Ltmp0, $4  }
0x89: {  	vm3 =	veq.s32 v19, $0x1;
	v26 =	vmul.f32 $1.442695020e+00, v33;
	(erf) = vpow2.f32 v30  }
0x8a: {  	(erf) = vpow2.f32 v25;
	v30 =	vsel vm3, v28, v32;
	v25 =	vsel vm3, v27, v34  }
0x8b: {  	(erf) = vpow2.f32 v26;
	v28 =	vmax.f32 v30, $9.999999970e-07;
	v25 =	vmax.f32 v25, $9.999999970e-07  }
0x8c: {  	s19 =	sadd.s32 $0x40, s19;
	v27 =	vcvt.s32.f32 v35;
	v26 =	vmin.f32 v28, $9.999989860e-01;
	v25 =	vmin.f32 v25, $9.999989860e-01;
	v19 =	vmovc v35  }
0x8d: {  	_ = 	snop  }
0x8e: {  	v27 =	vmul.f32 $1.562500000e-02, v27;
	_ =	sdelay $0x2  }
0x8f: {  	v30 =	vsub.f32 $1.000000000e+00, v27  }
0x90: {  	v27 =	vpop (erf)  }
0x91: {  	v28 =	vadd.f32 $1.562500000e-02, v30;
	v33 =	vpop (erf)  }
0x92: {  	v33 =	vadd.f32 $1.000000000e+00, v33  }
0x93: {  	(erf) = vrcp.f32 v28  }
0x94: {  	v32 =	vand.u32 $0x7FFFFF, v26;
	v34 =	vand.u32 $0x7FFFFF, v25;
	(erf) = vrcp.f32 v33  }
0x95: {  	v63 =	vsub.f32 $1.000000000e+00, v21;
	v46 =	vmul.f32 v20, v21;
	v47 =	vmul.f32 v29, v18  }
0x96: {  	v48 =	vmul.f32 v31, v17;
	v60 =	vshrl.u32 v26, $0x17;
	v32 =	vor.u32 $0x3F800000, v32  }
0x97: {  	v34 =	vor.u32 $0x3F800000, v34;
	v35 =	vmul.f32 $5.000000000e-01, v32;
	v44 =	vmul.f32 v20, v63  }
0x98: {  	v62 =	vshrl.u32 v25, $0x17;
	v36 =	vmul.f32 $5.000000000e-01, v34;
	vm4 =	vgt.f32 v32, $1.414213540e+00  }
0x99: {  	vm3 =	vgt.f32 v34, $1.414213540e+00;
	v20 =	vld [tilespmem:s20+$0x0];
	v32 =	vsel vm4, v35, v32;
	v24 =	vadd.f32 v24, v44  }
0x9a: {  	v26 =	vand.u32 $0xFF, v60;
	v34 =	vsel vm3, v36, v34;
	v32 =	vadd.f32 $-1.000000000e+00, v32  }
0x9b: {  	v22 =	vmul.f32 v22, v46;
	v34 =	vadd.f32 $-1.000000000e+00, v34;
	v23 =	vmul.f32 v23, v24;
	v21 =	vpop (erf)  }
0x9c: {  	v29 =	vadd.f32 $9.999989270e-01, v48;
	v38 =	vmul.f32 $3.752624150e-03, v27;
	v45 =	vmul.f32 $9.842353310e-02, v32;
	v50 =	vpop (erf)  }
0x9d: {  	v37 =	vmul.f32 $9.842353310e-02, v34;
	v41 =	vsub.f32 $1.000000000e+00, v28;
	v51 =	vadd.f32 v23, v22;
	v39 =	vpop (erf)  }
0x9e: {  	v35 =	vmul.f32 v50, v30;
	v30 =	vmul.f32 v30, v20;
	v40 =	vsub.f32 $1.000000000e+00, v39  }
0x9f: {  	v25 =	vand.u32 $0xFF, v62;
	v36 =	vsub.f32 $1.636587980e-01, v45;
	v37 =	vsub.f32 $1.636587980e-01, v37  }
0xa0: {  	v49 =	vadd.f32 $-2.303827930e-02, v38;
	v30 =	vmul.f32 v35, v30;
	v52 =	vmul.f32 v40, v28  }
0xa1: {  	v38 =	vadd.f32 $9.999999970e-07, v51;
	v36 =	vmul.f32 v36, v32;
	v37 =	vmul.f32 v37, v34  }
0xa2: {  	v53 =	vmul.f32 v28, v39;
	v42 =	vsub.f32 $1.000000000e+00, v30;
	v35 =	vadd.f32 v52, v41  }
0xa3: {  	v15 =	vmul.f32 v63, v15;
	(erf) = vrcp.f32 v38;
	v37 =	vadd.f32 $-1.740591230e-01, v37  }
0xa4: {  	v36 =	vadd.f32 $-1.740591230e-01, v36;
	v38 =	vmul.f32 v30, v53;
	v35 =	vmul.f32 v42, v35  }
0xa5: {  	v63 =	vsel vm4, $0xFFFFFF82, v1;
	v43 =	vmul.f32 $3.752624150e-03, v21;
	v37 =	vmul.f32 v37, v34  }
0xa6: {  	v57 =	vmul.f32 v29, v17;
	v36 =	vmul.f32 v36, v32;
	v56 =	vadd.f32 v35, v38  }
0xa7: {  	v26 =	vadd.s32 v26, v63;
	v55 =	vadd.f32 $-2.303827930e-02, v43;
	v37 =	vadd.f32 $1.988280270e-01, v37  }
0xa8: {  	v44 =	vsel vm3, $0xFFFFFF82, v1;
	v36 =	vadd.f32 $1.988280270e-01, v36;
	v43 =	vadd.f32 $9.999999970e-07, v56  }
0xa9: {  	vm3 =	veq.s32 v19, $0x1;
	v13 =	vsub.f32 v13, v15;
	v37 =	vmul.f32 v37, v34  }
0xaa: {  	v24 =	vadd.f32 $9.999989270e-01, v47;
	v36 =	vmul.f32 v36, v32;
	(erf) = vrcp.f32 v43  }
0xab: {  	v25 =	vadd.s32 v25, v44;
	v31 =	vmul.f32 v49, v27;
	v58 =	vadd.f32 $-2.495212850e-01, v37  }
0xac: {  	v26 =	vcvt.s32.f32 v26;
	v54 =	vmul.f32 v24, v18;
	v36 =	vadd.f32 $-2.495212850e-01, v36  }
0xad: {  	v31 =	vadd.f32 $6.651248040e-02, v31;
	v24 =	vmul.f32 v55, v21;
	v29 =	vmul.f32 v58, v34  }
0xae: {  	v17 =	vadd.f32 $5.239403130e-09, v57;
	v25 =	vcvt.s32.f32 v25;
	v36 =	vmul.f32 v36, v32  }
0xaf: {  	v31 =	vmul.f32 v31, v27;
	v24 =	vadd.f32 $6.651248040e-02, v24;
	v29 =	vadd.f32 $3.333570960e-01, v29  }
0xb0: {  	v26 =	vmul.f32 $6.931471820e-01, v26;
	v25 =	vmul.f32 $6.931471820e-01, v25;
	v36 =	vadd.f32 $3.333570960e-01, v36  }
0xb1: {  	v31 =	vadd.f32 $-1.252666120e-01, v31;
	v24 =	vmul.f32 v24, v21;
	v29 =	vmul.f32 v29, v34  }
0xb2: {  	v12 =	vadd.f32 v17, v12;
	v18 =	vadd.f32 $5.239403130e-09, v54;
	v59 =	vpop (erf);
	v36 =	vmul.f32 v36, v32  }
0xb3: {  	v31 =	vmul.f32 v31, v27;
	v24 =	vadd.f32 $-1.252666120e-01, v24;
	v29 =	vadd.f32 $-5.000094770e-01, v29;
	v43 =	vpop (erf)  }
0xb4: {  	v61 =	vadd.f32 $-5.000094770e-01, v36;
	v35 =	vmul.f32 v43, v35;
	v36 =	vmul.f32 v43, v38  }
0xb5: {  	v31 =	vadd.f32 $1.846884790e-01, v31;
	v24 =	vmul.f32 v24, v21;
	v29 =	vmul.f32 v29, v34  }
0xb6: {  	v22 =	vmul.f32 v59, v22;
	v46 =	vsel vm3, v40, v35;
	v47 =	vsel vm3, v39, v36  }
0xb7: {  	v45 =	vadd.f32 $9.999998800e-01, v29;
	v29 =	vmax.f32 v46, $9.999999970e-07;
	v35 =	vmax.f32 v47, $9.999999970e-07  }
0xb8: {  	v23 =	vmul.f32 v59, v23;
	v29 =	vmin.f32 v29, $9.999989860e-01;
	v35 =	vmin.f32 v35, $9.999989860e-01  }
0xb9: {  	v33 =	vmul.f32 v61, v32;
	v48 =	vand.u32 $0x7FFFFF, v29;
	v49 =	vand.u32 $0x7FFFFF, v35  }
0xba: {  	v24 =	vadd.f32 $1.846884790e-01, v24;
	v50 =	vor.u32 $0x3F800000, v48;
	v51 =	vor.u32 $0x3F800000, v49  }
0xbb: {  	v33 =	vadd.f32 $9.999998800e-01, v33;
	v52 =	vmul.f32 $5.000000000e-01, v50;
	v53 =	vmul.f32 $5.000000000e-01, v51  }
0xbc: {  	v31 =	vmul.f32 v31, v27;
	vm15 =	vgt.f32 v50, $1.414213540e+00;
	vm3 =	vgt.f32 v51, $1.414213540e+00  }
0xbd: {  	v32 =	vmul.f32 v33, v32;
	v33 =	vsel vm15, v52, v50;
	v36 =	vsel vm3, v53, v51  }
0xbe: {  	v23 =	vmax.f32 v23, $0.0e+00;
	v33 =	vadd.f32 $-1.000000000e+00, v33;
	v36 =	vadd.f32 $-1.000000000e+00, v36  }
0xbf: {  	v22 =	vmax.f32 v22, $0.0e+00;
	v31 =	vadd.f32 $-2.463566060e-01, v31;
	v23 =	vmin.f32 v23, $1.000000000e+00  }
0xc0: {  	v54 =	vadd.f32 $1.000000000e+00, v23;
	v56 =	vmul.f32 $9.842353310e-02, v33;
	v57 =	vmul.f32 $9.842353310e-02, v36  }
0xc1: {  	v23 =	vsub.f32 $1.000000000e+00, v23;
	v19 =	vmul.f32 v45, v34;
	v34 =	vsub.f32 $1.000000000e+00, v20  }
0xc2: {  	v22 =	vmin.f32 v22, $1.000000000e+00;
	v39 =	vsub.f32 $1.636587980e-01, v56;
	v40 =	vsub.f32 $1.636587980e-01, v57  }
0xc3: {  	v37 =	vsub.f32 v54, v22;
	v55 =	vmul.f32 v28, v34;
	v28 =	vmul.f32 v28, v20  }
0xc4: {  	v22 =	vadd.f32 v23, v22;
	v58 =	vmul.f32 v39, v33;
	v59 =	vmul.f32 v40, v36  }
0xc5: {  	v24 =	vmul.f32 v24, v21;
	v32 =	vadd.f32 $2.861100510e-08, v32;
	v38 =	vadd.f32 v41, v55  }
0xc6: {  	v28 =	vmul.f32 v30, v28;
	v23 =	vadd.f32 $-1.740591230e-01, v58;
	v30 =	vadd.f32 $-1.740591230e-01, v59  }
0xc7: {  	v24 =	vadd.f32 $-2.463566060e-01, v24;
	v19 =	vadd.f32 $2.861100510e-08, v19;
	v38 =	vmul.f32 v42, v38  }
0xc8: {  	v26 =	vadd.f32 v32, v26;
	v23 =	vmul.f32 v23, v33;
	v30 =	vmul.f32 v30, v36  }
0xc9: {  	v63 =	vmul.f32 v6, v20;
	v19 =	vadd.f32 v19, v25;
	v60 =	vadd.f32 v38, v28  }
0xca: {  	v62 =	vmul.f32 v31, v27;
	v23 =	vadd.f32 $1.988280270e-01, v23;
	v30 =	vadd.f32 $1.988280270e-01, v30  }
0xcb: {  	v26 =	vmul.f32 v26, v37;
	v19 =	vmul.f32 v19, v22;
	v61 =	vadd.f32 $9.999999970e-07, v60  }
0xcc: {  	v49 =	vshrl.u32 v29, $0x17;
	v23 =	vmul.f32 v23, v33;
	v41 =	vmul.f32 v30, v36  }
0xcd: {  	v19 =	vadd.f32 v19, v26;
	v25 =	vand.u32 $0xFF, v49;
	v40 =	vadd.f32 $3.328184190e-01, v62  }
0xce: {  	(erf) = vrcp.f32 v61;
	v23 =	vadd.f32 $-2.495212850e-01, v23;
	v43 =	vadd.f32 $-2.495212850e-01, v41  }
0xcf: {  	v50 =	vshrl.u32 v35, $0x17;
	v39 =	vmul.f32 v24, v21;
	v42 =	vmul.f32 v40, v27  }
0xd0: {  	v51 =	vsel vm15, $0xFFFFFF82, v1;
	v23 =	vmul.f32 v23, v33;
	v24 =	vmul.f32 v43, v36  }
0xd1: {  	v52 =	vsel vm3, $0xFFFFFF82, v1;
	v25 =	vadd.s32 v25, v51;
	v22 =	vadd.f32 $-4.999622400e-01, v42  }
0xd2: {  	v26 =	vand.u32 $0xFF, v50;
	v45 =	vadd.f32 $3.333570960e-01, v23;
	v46 =	vadd.f32 $3.333570960e-01, v24  }
0xd3: {  	v25 =	vcvt.s32.f32 v25;
	v15 =	vadd.f32 $3.328184190e-01, v39;
	v44 =	vmul.f32 v22, v27  }
0xd4: {  	v26 =	vadd.s32 v26, v52;
	v22 =	vmul.f32 v45, v33;
	v23 =	vmul.f32 v46, v36  }
0xd5: {  	v13 =	vadd.f32 v18, v13;
	v26 =	vcvt.s32.f32 v26;
	v15 =	vmul.f32 v15, v21  }
0xd6: {  	v54 =	vmul.f32 v34, v14;
	v22 =	vadd.f32 $-5.000094770e-01, v22;
	v23 =	vadd.f32 $-5.000094770e-01, v23  }
0xd7: {  	v25 =	vmul.f32 $6.931471820e-01, v25;
	v26 =	vmul.f32 $6.931471820e-01, v26;
	v15 =	vadd.f32 $-4.999622400e-01, v15  }
0xd8: {  	v16 =	vsub.f32 v16, v63;
	v47 =	vpop (erf);
	v22 =	vmul.f32 v22, v33;
	v23 =	vmul.f32 v23, v36  }
0xd9: {  	v12 =	vadd.f32 v12, v13;
	v15 =	vmul.f32 v15, v21;
	v24 =	vmul.f32 v47, v38  }
0xda: {  	v48 =	vmul.f32 v47, v28;
	v22 =	vadd.f32 $9.999998800e-01, v22;
	v23 =	vadd.f32 $9.999998800e-01, v23  }
0xdb: {  	v18 =	vadd.f32 $9.999989270e-01, v44;
	v15 =	vadd.f32 $9.999989270e-01, v15;
	v24 =	vmax.f32 v24, $0.0e+00  }
0xdc: {  	v24 =	vmin.f32 v24, $1.000000000e+00;
	v22 =	vmul.f32 v22, v33;
	v23 =	vmul.f32 v23, v36  }
0xdd: {  	v17 =	vmax.f32 v48, $0.0e+00;
	v53 =	vadd.f32 $1.000000000e+00, v24;
	v24 =	vsub.f32 $1.000000000e+00, v24  }
0xde: {  	v17 =	vmin.f32 v17, $1.000000000e+00;
	v22 =	vadd.f32 $2.861100510e-08, v22;
	v23 =	vadd.f32 $2.861100510e-08, v23  }
0xdf: {  	v18 =	vmul.f32 v18, v27;
	v28 =	vsub.f32 v53, v17;
	v17 =	vadd.f32 v24, v17  }
0xe0: {  	v15 =	vmul.f32 v15, v21;
	v22 =	vadd.f32 v22, v25;
	v23 =	vadd.f32 v23, v26  }
0xe1: {  	v11 =	vsub.f32 v11, v54;
	v18 =	vadd.f32 $5.239403130e-09, v18  }
0xe2: {  	v15 =	vadd.f32 $5.239403130e-09, v15;
	v22 =	vmul.f32 v22, v28;
	v17 =	vmul.f32 v23, v17  }
0xe3: {  	v19 =	vsub.f32 $0.0e+00, v19;
	v11 =	vadd.f32 v18, v11  }
0xe4: {  	v15 =	vadd.f32 v15, v16;
	v55 =	vadd.f32 v17, v22  }
0xe5: {  	v10 =	vadd.f32 v12, v10;
	v9 =	vadd.f32 v19, v9  }
0xe6: {  	vm3 =	vgt.f32 v6, v14;
	v11 =	vadd.f32 v15, v11;
	v6 =	vsub.f32 $0.0e+00, v55  }
0xe7: {  	v7 =	vadd.f32 v7, v8;
	v56 =	vsel vm3, $0x3F800000, v0  }
0xe8: {  	vm3 =	veq.f32 v56, v20;
	v57 =	vadd.f32 v11, v10;
	v6 =	vadd.f32 v6, v9  }
0xe9: {  	v58 =	vsel vm3, $0x3F800000, v0  }
0xea: {  	v7 =	vadd.f32 v58, v7;
	v59 =	vperm.xlane v57, v2;
	v60 =	vperm.xlane v6, v2;
	_ =	sdelay $0x1  }
0xeb: {  	v61 =	vperm.xlane v7, v2;
	v8 =	vadd.f32 v59, v57;
	v6 =	vadd.f32 v60, v6;
	_ =	sdelay $0x1  }
0xec: {  	v7 =	vadd.f32 v61, v7;
	v62 =	vperm.xlane v8, v3;
	v63 =	vperm.xlane v6, v3;
	_ =	sdelay $0x1  }
0xed: {  	v8 =	vadd.f32 v62, v8;
	v9 =	vperm.xlane v7, v3;
	v6 =	vadd.f32 v63, v6;
	_ =	sdelay $0x1  }
0xee: {  	v10 =	vperm.xlane v8, v4;
	v7 =	vadd.f32 v9, v7;
	v11 =	vperm.xlane v6, v4;
	_ =	sdelay $0x1  }
0xef: {  	v8 =	vadd.f32 v10, v8;
	v9 =	vperm.xlane v7, v4;
	v6 =	vadd.f32 v11, v6;
	_ =	sdelay $0x1  }
0xf0: {  	v10 =	vperm.xlane v8, v5;
	v7 =	vadd.f32 v9, v7;
	v11 =	vperm.xlane v6, v5;
	_ =	sdelay $0x1  }
0xf1: {  	v8 =	vadd.f32 v10, v8;
	v9 =	vperm.xlane v7, v5;
	v6 =	vadd.f32 v11, v6;
	_ =	sdelay $0x1  }
0xf2: {  	v8 =	vnsel vm0, $0x0, v8;
	v7 =	vadd.f32 v9, v7;
	v6 =	vsel vm1, $0x0, v6  }
0xf3: {  	v6 =	vadd.f32 v6, v8  }
0xf4: {  	v7 =	vsel vm2, $0x0, v7  }
0xf5: {  	s18 =	sadd.s32 $0x1, s18;
	v6 =	vadd.f32 v7, v6  }
0xf6: {  	p0 =	sne.s32 s18, s8  }
.Ltmp1:
0xf7: {  	[tilespmem:$0x1000] =	vst v6;
	(pc) =	sbr.rel @p0 .LBB2_1-.Ltmp1, $4  }
0xf8: {  	[hbm4b:s7+s0] =	stream.linear.scatter [tilespmem:s16], [sflag:$0x5], $0x80, $0x38;
	[tilespmem:$0x1080] =	vst v63  }
0xf9: {  	_ =	swait.ge [sflag:s17], $0x80  }
0xfa: {  	[sflag:s17] =	ssyncset.done $0x0  }
0xfb: {  	[sflag:s17] =	ssyncadd.s32 $0xFFFFFF80  }
0xfc: {  	_ =	sfence.sel $0x180000  }
0xfd: {  	[bflag:$0x0] =	sbarrier.arrive $0xFFFF  }
0xfe: {  	p0 =	sne.s32 s1, $0x0;
	_ =	strace $0x90000047  }
0xff: {  	s0 =	sadd.s32 @!p0 $0x100000, s2;
	[bflag:$0x2] =	sbarrier.arrive $0xFFFF  }
0x100: {  	[sflag:s0] =	ssyncadd.tile.s32 @!p0 $0x1;
	_ =	shalt  }
.Lfunc_end2:
_tile_overlayer_lowered:
.L_overlay_start_2:
0x101: {  	(tag) =	ssettag $0x2  }
0x102: {  	s0 =	rddreg [dreg:$0x0];
	s2 =	stileid.u32  }
0x103: {  	s1 =	rddreg [dreg:$0x1];
	p0 =	sne.s32 s2, $0x0  }
0x104: {  	s3 =	rddreg [dreg:$0x2];
	[bflag:$0x3] =	sbarrier.arrive $0xFFFF;
	s2 =	simm.s32 @!p0 $0x1C05  }
0x105: {  	[timem:s3], [sflag:s2] =	dma.local @!p0 [hbm:s0], s1  }
0x106: {  	s0 =	simm.s32 @!p0 $0x5  }
0x107: {  	_ =	swait.ge @!p0 [sflag:s0], s1  }
0x108: {  	s1 =	ssub.s32 @!p0 $0x0, s1;
	[sflag:s0] =	ssyncset.done @!p0 $0x0  }
0x109: {  	[sflag:s0] =	ssyncadd.s32 @!p0 s1  }
0x10a: {  	[bflag:$0x3] =	sbarrier.arrive $0xFFFF  }
0x10b: {  	_ =	shalt  }

</sc_bundles>
